<compile_context>
chip_gen: v7x
topology: tpu7x:2x2x1
jax: 0.10.2.dev20260603
libtpu: 0.0.44.dev20260713+nightly
codegen_flags: <defaults>
</compile_context>

<pallas_src>
import functools

import jax
import jax.numpy as jnp
from jax import lax
from jax.experimental import pallas as pl
from jax.experimental.pallas import tpu as pltpu
from jax.experimental.pallas import tpu_sc as plsc

VOCAB = 256
DIM = 64
NUM_CORES = 2
NUM_SUBCORES = 16
NW = NUM_CORES * NUM_SUBCORES


def _table_body(embed_ref, w_ref, b_ref, m_ref):
    m = lax.dot_general(
        embed_ref[...], w_ref[...],
        (((1,), (1,)), ((), ())),
        preferred_element_type=jnp.float32,
    )
    m_ref[...] = m + b_ref[...]


def _build_table(embed, W, b2d):
    return pl.pallas_call(
        _table_body,
        out_shape=jax.ShapeDtypeStruct((VOCAB, VOCAB), jnp.float32),
    )(embed, W, b2d)


def _make_gather(total_tokens: int):
    b_per_w = total_tokens // NW
    chunk = 128
    nbuf = 3
    n_chunks = b_per_w // chunk
    mesh = plsc.VectorSubcoreMesh(
        core_axis_name="c", subcore_axis_name="s",
        num_cores=NUM_CORES, num_subcores=NUM_SUBCORES)

    @functools.partial(
        pl.kernel,
        out_type=jax.ShapeDtypeStruct((total_tokens, VOCAB), jnp.float32),
        mesh=mesh,
        scratch_types=[
            pltpu.VMEM((b_per_w,), jnp.int32),
        ] + [pltpu.VMEM((chunk, VOCAB), jnp.float32) for _ in range(nbuf)]
          + [pltpu.SemaphoreType.DMA for _ in range(nbuf)]
          + [pltpu.SemaphoreType.DMA for _ in range(nbuf)],
    )
    def gather(table_hbm, idx_hbm, out_hbm, idx_all, *bufs_and_sems):
        row_bufs = bufs_and_sems[:nbuf]
        sems_in = bufs_and_sems[nbuf:2 * nbuf]
        sems_out = bufs_and_sems[2 * nbuf:]
        wid = lax.axis_index("s") * NUM_CORES + lax.axis_index("c")
        base = wid * b_per_w

        pltpu.sync_copy(idx_hbm.at[pl.ds(base, b_per_w)], idx_all)

        def gather_copy(c):
            slot = c % nbuf
            return pltpu.make_async_copy(
                table_hbm.at[idx_all.at[pl.ds(c * chunk, chunk)]],
                row_bufs[slot], sems_in[slot])

        def scatter_copy(c):
            slot = c % nbuf
            return pltpu.make_async_copy(
                row_bufs[slot], out_hbm.at[pl.ds(base + c * chunk, chunk)],
                sems_out[slot])

        for c in range(min(nbuf, n_chunks)):
            pass
        for c in range(n_chunks):
            scatter_copy(c).start()
            p = c - 1 + nbuf
            if c >= 1 and p < n_chunks:
                scatter_copy(c - 1).wait()
                gather_copy(p).start()
        for c in range(max(0, n_chunks - nbuf), n_chunks):
            scatter_copy(c).wait()

    return gather


def _onehot_body(x_ref, m_ref, out_ref):
    xb = x_ref[0, 0, :]
    oh = (xb[:, None] == lax.broadcasted_iota(jnp.int32, (1, VOCAB), 1)
          ).astype(jnp.float32)
    out_ref[...] = lax.dot_general(
        oh, m_ref[...], (((1,), (0,)), ((), ())),
        preferred_element_type=jnp.float32)


def _onehot_lookup(table, flat, total):
    blk = 1024
    nb = total // blk
    x3 = flat.reshape(nb, 1, blk)
    return pl.pallas_call(
        _onehot_body,
        grid=(nb,),
        in_specs=[
            pl.BlockSpec((1, 1, blk), lambda i: (i, 0, 0)),
            pl.BlockSpec((VOCAB, VOCAB), lambda i: (0, 0)),
        ],
        out_specs=pl.BlockSpec((blk, VOCAB), lambda i: (i, 0)),
        out_shape=jax.ShapeDtypeStruct((total, VOCAB), jnp.float32),
    )(x3, table)


def kernel(x, embed, W, b):
    B, S = x.shape
    total = B * S
    table = _build_table(embed, W, b.reshape(1, VOCAB))
    flat = x.reshape(total)
    out = _make_gather(total)(table, flat)
    return out.reshape(B, S, VOCAB)

# --- scband reference (transcript-rebuilt; emitter-appended) ---
"""Pipeline reference for scband-mini-gpt-26207890440319 (READ-ONLY COPY).

The authoritative reference and input builder live on the scoring server;
editing this copy changes nothing except your own understanding.
"""

import jax, jax.numpy as jnp
import numpy as np

VOCAB = 256
DIM = 64

def setup_inputs(seed: int = 0) -> dict:
    key = jax.random.key(seed)
    k1, k2, k3 = jax.random.split(key, 3)
    x = jax.random.randint(k1, (4, 8192), 0, VOCAB, dtype=jnp.int32)
    # learned parameters
    embed = jax.random.normal(k2, (VOCAB, DIM), dtype=jnp.float32) * 0.02  # nn.Embedding weight
    W = jax.random.normal(k3, (VOCAB, DIM), dtype=jnp.float32) * 0.02      # nn.Linear weight [out, in]
    b = jnp.zeros((VOCAB,), dtype=jnp.float32)                              # nn.Linear bias
    return {"x": x, "embed": embed, "W": W, "b": b}

def reference(x, embed, W, b):
    # x = self.embed(x)
    h = jnp.take(embed, x, axis=0)          # [B, S, 64]
    # x = self.fc(x)
    out = h @ W.T + b                        # [B, S, VOCAB]
    return out

if __name__ == "__main__":
    import jax
    _d = setup_inputs()
    print(jax.jit(kernel)(*tuple(_d.values())))

</pallas_src>

<mosaic_0001>
#map = affine_map<(d0, d1) -> (0, 0)>
#map1 = affine_map<(d0, d1) -> (0)>
module attributes {stable_mosaic.version = 14 : i64} {
  func.func @gather(%arg0: i32, %arg1: i32, %arg2: memref<256x256xf32, #tpu.memory_space<hbm>>, %arg3: memref<32768xi32, #tpu.memory_space<hbm>>, %arg4: memref<32768x256xf32, #tpu.memory_space<hbm>>, %arg5: memref<1024xi32, #tpu.memory_space<vmem>>, %arg6: memref<128x256xf32, #tpu.memory_space<vmem>>, %arg7: memref<128x256xf32, #tpu.memory_space<vmem>>, %arg8: memref<128x256xf32, #tpu.memory_space<vmem>>, %arg9: memref<!tpu.dma_semaphore, #tpu.memory_space<semaphore_mem>>, %arg10: memref<!tpu.dma_semaphore, #tpu.memory_space<semaphore_mem>>, %arg11: memref<!tpu.dma_semaphore, #tpu.memory_space<semaphore_mem>>, %arg12: memref<!tpu.dma_semaphore, #tpu.memory_space<semaphore_mem>>, %arg13: memref<!tpu.dma_semaphore, #tpu.memory_space<semaphore_mem>>, %arg14: memref<!tpu.dma_semaphore, #tpu.memory_space<semaphore_mem>>) attributes {dimension_semantics = [#tpu.dimension_semantics<core_parallel>, #tpu.dimension_semantics<subcore_parallel>], iteration_bounds = array<i64: 2, 16>, scalar_prefetch = 0 : i64, scratch_operands = 10 : i64, tpu.core_type = #tpu.core_type<sc_vector_subcore>, window_params = [{transform_indices = #map}, {transform_indices = #map1}, {transform_indices = #map}]} {
    %mul3A = arith.constant 2 : i32
    %mul3A_0 = arith.muli %arg1, %mul3A : i32
    %add3A = arith.addi %mul3A_0, %arg0 : i32
    %mul3A_1 = arith.constant 1024 : i32
    %mul3A_2 = arith.muli %add3A, %mul3A_1 : i32
    "tpu.region"() ({
      %run_scoped3A = tpu.sem_alloc : memref<!tpu.dma_semaphore, #tpu.memory_space<semaphore_mem>>
      %dma_start3A_122 = tpu.memref_slice %arg3[%mul3A_2] : memref<32768xi32, #tpu.memory_space<hbm>> -> memref<1024xi32, #tpu.memory_space<hbm>>
      %dma_start3A_123 = tpu.memref_slice %arg3[%mul3A_2] : memref<32768xi32, #tpu.memory_space<hbm>> -> memref<1024xi32, #tpu.memory_space<hbm>>
      tpu.enqueue_dma source(%dma_start3A_123 : memref<1024xi32, #tpu.memory_space<hbm>>) target(%arg5 : memref<1024xi32, #tpu.memory_space<vmem>>) target_semaphore(%run_scoped3A : memref<!tpu.dma_semaphore, #tpu.memory_space<semaphore_mem>>)
      %dma_wait3A_124 = tpu.memref_slice %arg3[%mul3A_2] : memref<32768xi32, #tpu.memory_space<hbm>> -> memref<1024xi32, #tpu.memory_space<hbm>>
      %dma_wait3A_125 = tpu.memref_slice %arg3[%mul3A_2] : memref<32768xi32, #tpu.memory_space<hbm>> -> memref<1024xi32, #tpu.memory_space<hbm>>
      tpu.wait_dma2 semaphore(%run_scoped3A : memref<!tpu.dma_semaphore, #tpu.memory_space<semaphore_mem>>) src(%dma_wait3A_125 : memref<1024xi32, #tpu.memory_space<hbm>>) dst(%arg5 : memref<1024xi32, #tpu.memory_space<vmem>>)
      tpu.yield
    }) : () -> ()
    %add3A_3 = arith.constant 0 : i32
    %add3A_4 = arith.addi %mul3A_2, %add3A_3 : i32
    %dma_start3A = arith.constant 0 : i32
    %dma_start3A_5 = tpu.memref_slice %arg4[%add3A_4, %dma_start3A] : memref<32768x256xf32, #tpu.memory_space<hbm>> -> memref<128x256xf32, #tpu.memory_space<hbm>>
    %dma_start3A_6 = arith.constant 0 : i32
    %dma_start3A_7 = tpu.memref_slice %arg4[%add3A_4, %dma_start3A_6] : memref<32768x256xf32, #tpu.memory_space<hbm>> -> memref<128x256xf32, #tpu.memory_space<hbm>>
    tpu.enqueue_dma source(%arg6 : memref<128x256xf32, #tpu.memory_space<vmem>>) target(%dma_start3A_7 : memref<128x256xf32, #tpu.memory_space<hbm>>) target_semaphore(%arg12 : memref<!tpu.dma_semaphore, #tpu.memory_space<semaphore_mem>>)
    %add3A_8 = arith.constant 128 : i32
    %add3A_9 = arith.addi %mul3A_2, %add3A_8 : i32
    %dma_start3A_10 = arith.constant 0 : i32
    %dma_start3A_11 = tpu.memref_slice %arg4[%add3A_9, %dma_start3A_10] : memref<32768x256xf32, #tpu.memory_space<hbm>> -> memref<128x256xf32, #tpu.memory_space<hbm>>
    %dma_start3A_12 = arith.constant 0 : i32
    %dma_start3A_13 = tpu.memref_slice %arg4[%add3A_9, %dma_start3A_12] : memref<32768x256xf32, #tpu.memory_space<hbm>> -> memref<128x256xf32, #tpu.memory_space<hbm>>
    tpu.enqueue_dma source(%arg7 : memref<128x256xf32, #tpu.memory_space<vmem>>) target(%dma_start3A_13 : memref<128x256xf32, #tpu.memory_space<hbm>>) target_semaphore(%arg13 : memref<!tpu.dma_semaphore, #tpu.memory_space<semaphore_mem>>)
    %add3A_14 = arith.constant 0 : i32
    %add3A_15 = arith.addi %mul3A_2, %add3A_14 : i32
    %dma_wait3A = arith.constant 0 : i32
    %dma_wait3A_16 = tpu.memref_slice %arg4[%add3A_15, %dma_wait3A] : memref<32768x256xf32, #tpu.memory_space<hbm>> -> memref<128x256xf32, #tpu.memory_space<hbm>>
    %dma_wait3A_17 = arith.constant 0 : i32
    %dma_wait3A_18 = tpu.memref_slice %arg4[%add3A_15, %dma_wait3A_17] : memref<32768x256xf32, #tpu.memory_space<hbm>> -> memref<128x256xf32, #tpu.memory_space<hbm>>
    tpu.wait_dma2 semaphore(%arg12 : memref<!tpu.dma_semaphore, #tpu.memory_space<semaphore_mem>>) src(%arg6 : memref<128x256xf32, #tpu.memory_space<vmem>>) dst(%dma_wait3A_18 : memref<128x256xf32, #tpu.memory_space<hbm>>)
    %dma_start3A_19 = arith.constant 384 : i32
    %dma_start3A_20 = tpu.memref_slice %arg5[%dma_start3A_19] : memref<1024xi32, #tpu.memory_space<vmem>> -> memref<128xi32, #tpu.memory_space<vmem>>
    %dma_start3A_21 = arith.constant 0 : i32
    %dma_start3A_22 = arith.constant 0 : i32
    %dma_start3A_23 = tpu.memref_slice %arg2[%dma_start3A_21, %dma_start3A_22] : memref<256x256xf32, #tpu.memory_space<hbm>> -> memref<256x256xf32, #tpu.memory_space<hbm>>
    tpu.enqueue_indirect_dma source(%dma_start3A_23 : memref<256x256xf32, #tpu.memory_space<hbm>>) target(%arg6 : memref<128x256xf32, #tpu.memory_space<vmem>>) offsets(%dma_start3A_20 : memref<128xi32, #tpu.memory_space<vmem>>) semaphore(%arg9 : memref<!tpu.dma_semaphore, #tpu.memory_space<semaphore_mem>>)
    %add3A_24 = arith.constant 256 : i32
    %add3A_25 = arith.addi %mul3A_2, %add3A_24 : i32
    %dma_start3A_26 = arith.constant 0 : i32
    %dma_start3A_27 = tpu.memref_slice %arg4[%add3A_25, %dma_start3A_26] : memref<32768x256xf32, #tpu.memory_space<hbm>> -> memref<128x256xf32, #tpu.memory_space<hbm>>
    %dma_start3A_28 = arith.constant 0 : i32
    %dma_start3A_29 = tpu.memref_slice %arg4[%add3A_25, %dma_start3A_28] : memref<32768x256xf32, #tpu.memory_space<hbm>> -> memref<128x256xf32, #tpu.memory_space<hbm>>
    tpu.enqueue_dma source(%arg8 : memref<128x256xf32, #tpu.memory_space<vmem>>) target(%dma_start3A_29 : memref<128x256xf32, #tpu.memory_space<hbm>>) target_semaphore(%arg14 : memref<!tpu.dma_semaphore, #tpu.memory_space<semaphore_mem>>)
    %add3A_30 = arith.constant 128 : i32
    %add3A_31 = arith.addi %mul3A_2, %add3A_30 : i32
    %dma_wait3A_32 = arith.constant 0 : i32
    %dma_wait3A_33 = tpu.memref_slice %arg4[%add3A_31, %dma_wait3A_32] : memref<32768x256xf32, #tpu.memory_space<hbm>> -> memref<128x256xf32, #tpu.memory_space<hbm>>
    %dma_wait3A_34 = arith.constant 0 : i32
    %dma_wait3A_35 = tpu.memref_slice %arg4[%add3A_31, %dma_wait3A_34] : memref<32768x256xf32, #tpu.memory_space<hbm>> -> memref<128x256xf32, #tpu.memory_space<hbm>>
    tpu.wait_dma2 semaphore(%arg13 : memref<!tpu.dma_semaphore, #tpu.memory_space<semaphore_mem>>) src(%arg7 : memref<128x256xf32, #tpu.memory_space<vmem>>) dst(%dma_wait3A_35 : memref<128x256xf32, #tpu.memory_space<hbm>>)
    %dma_start3A_36 = arith.constant 512 : i32
    %dma_start3A_37 = tpu.memref_slice %arg5[%dma_start3A_36] : memref<1024xi32, #tpu.memory_space<vmem>> -> memref<128xi32, #tpu.memory_space<vmem>>
    %dma_start3A_38 = arith.constant 0 : i32
    %dma_start3A_39 = arith.constant 0 : i32
    %dma_start3A_40 = tpu.memref_slice %arg2[%dma_start3A_38, %dma_start3A_39] : memref<256x256xf32, #tpu.memory_space<hbm>> -> memref<256x256xf32, #tpu.memory_space<hbm>>
    tpu.enqueue_indirect_dma source(%dma_start3A_40 : memref<256x256xf32, #tpu.memory_space<hbm>>) target(%arg7 : memref<128x256xf32, #tpu.memory_space<vmem>>) offsets(%dma_start3A_37 : memref<128xi32, #tpu.memory_space<vmem>>) semaphore(%arg10 : memref<!tpu.dma_semaphore, #tpu.memory_space<semaphore_mem>>)
    %add3A_41 = arith.constant 384 : i32
    %add3A_42 = arith.addi %mul3A_2, %add3A_41 : i32
    %dma_start3A_43 = arith.constant 0 : i32
    %dma_start3A_44 = tpu.memref_slice %arg4[%add3A_42, %dma_start3A_43] : memref<32768x256xf32, #tpu.memory_space<hbm>> -> memref<128x256xf32, #tpu.memory_space<hbm>>
    %dma_start3A_45 = arith.constant 0 : i32
    %dma_start3A_46 = tpu.memref_slice %arg4[%add3A_42, %dma_start3A_45] : memref<32768x256xf32, #tpu.memory_space<hbm>> -> memref<128x256xf32, #tpu.memory_space<hbm>>
    tpu.enqueue_dma source(%arg6 : memref<128x256xf32, #tpu.memory_space<vmem>>) target(%dma_start3A_46 : memref<128x256xf32, #tpu.memory_space<hbm>>) target_semaphore(%arg12 : memref<!tpu.dma_semaphore, #tpu.memory_space<semaphore_mem>>)
    %add3A_47 = arith.constant 256 : i32
    %add3A_48 = arith.addi %mul3A_2, %add3A_47 : i32
    %dma_wait3A_49 = arith.constant 0 : i32
    %dma_wait3A_50 = tpu.memref_slice %arg4[%add3A_48, %dma_wait3A_49] : memref<32768x256xf32, #tpu.memory_space<hbm>> -> memref<128x256xf32, #tpu.memory_space<hbm>>
    %dma_wait3A_51 = arith.constant 0 : i32
    %dma_wait3A_52 = tpu.memref_slice %arg4[%add3A_48, %dma_wait3A_51] : memref<32768x256xf32, #tpu.memory_space<hbm>> -> memref<128x256xf32, #tpu.memory_space<hbm>>
    tpu.wait_dma2 semaphore(%arg14 : memref<!tpu.dma_semaphore, #tpu.memory_space<semaphore_mem>>) src(%arg8 : memref<128x256xf32, #tpu.memory_space<vmem>>) dst(%dma_wait3A_52 : memref<128x256xf32, #tpu.memory_space<hbm>>)
    %dma_start3A_53 = arith.constant 640 : i32
    %dma_start3A_54 = tpu.memref_slice %arg5[%dma_start3A_53] : memref<1024xi32, #tpu.memory_space<vmem>> -> memref<128xi32, #tpu.memory_space<vmem>>
    %dma_start3A_55 = arith.constant 0 : i32
    %dma_start3A_56 = arith.constant 0 : i32
    %dma_start3A_57 = tpu.memref_slice %arg2[%dma_start3A_55, %dma_start3A_56] : memref<256x256xf32, #tpu.memory_space<hbm>> -> memref<256x256xf32, #tpu.memory_space<hbm>>
    tpu.enqueue_indirect_dma source(%dma_start3A_57 : memref<256x256xf32, #tpu.memory_space<hbm>>) target(%arg8 : memref<128x256xf32, #tpu.memory_space<vmem>>) offsets(%dma_start3A_54 : memref<128xi32, #tpu.memory_space<vmem>>) semaphore(%arg11 : memref<!tpu.dma_semaphore, #tpu.memory_space<semaphore_mem>>)
    %add3A_58 = arith.constant 512 : i32
    %add3A_59 = arith.addi %mul3A_2, %add3A_58 : i32
    %dma_start3A_60 = arith.constant 0 : i32
    %dma_start3A_61 = tpu.memref_slice %arg4[%add3A_59, %dma_start3A_60] : memref<32768x256xf32, #tpu.memory_space<hbm>> -> memref<128x256xf32, #tpu.memory_space<hbm>>
    %dma_start3A_62 = arith.constant 0 : i32
    %dma_start3A_63 = tpu.memref_slice %arg4[%add3A_59, %dma_start3A_62] : memref<32768x256xf32, #tpu.memory_space<hbm>> -> memref<128x256xf32, #tpu.memory_space<hbm>>
    tpu.enqueue_dma source(%arg7 : memref<128x256xf32, #tpu.memory_space<vmem>>) target(%dma_start3A_63 : memref<128x256xf32, #tpu.memory_space<hbm>>) target_semaphore(%arg13 : memref<!tpu.dma_semaphore, #tpu.memory_space<semaphore_mem>>)
    %add3A_64 = arith.constant 384 : i32
    %add3A_65 = arith.addi %mul3A_2, %add3A_64 : i32
    %dma_wait3A_66 = arith.constant 0 : i32
    %dma_wait3A_67 = tpu.memref_slice %arg4[%add3A_65, %dma_wait3A_66] : memref<32768x256xf32, #tpu.memory_space<hbm>> -> memref<128x256xf32, #tpu.memory_space<hbm>>
    %dma_wait3A_68 = arith.constant 0 : i32
    %dma_wait3A_69 = tpu.memref_slice %arg4[%add3A_65, %dma_wait3A_68] : memref<32768x256xf32, #tpu.memory_space<hbm>> -> memref<128x256xf32, #tpu.memory_space<hbm>>
    tpu.wait_dma2 semaphore(%arg12 : memref<!tpu.dma_semaphore, #tpu.memory_space<semaphore_mem>>) src(%arg6 : memref<128x256xf32, #tpu.memory_space<vmem>>) dst(%dma_wait3A_69 : memref<128x256xf32, #tpu.memory_space<hbm>>)
    %dma_start3A_70 = arith.constant 768 : i32
    %dma_start3A_71 = tpu.memref_slice %arg5[%dma_start3A_70] : memref<1024xi32, #tpu.memory_space<vmem>> -> memref<128xi32, #tpu.memory_space<vmem>>
    %dma_start3A_72 = arith.constant 0 : i32
    %dma_start3A_73 = arith.constant 0 : i32
    %dma_start3A_74 = tpu.memref_slice %arg2[%dma_start3A_72, %dma_start3A_73] : memref<256x256xf32, #tpu.memory_space<hbm>> -> memref<256x256xf32, #tpu.memory_space<hbm>>
    tpu.enqueue_indirect_dma source(%dma_start3A_74 : memref<256x256xf32, #tpu.memory_space<hbm>>) target(%arg6 : memref<128x256xf32, #tpu.memory_space<vmem>>) offsets(%dma_start3A_71 : memref<128xi32, #tpu.memory_space<vmem>>) semaphore(%arg9 : memref<!tpu.dma_semaphore, #tpu.memory_space<semaphore_mem>>)
    %add3A_75 = arith.constant 640 : i32
    %add3A_76 = arith.addi %mul3A_2, %add3A_75 : i32
    %dma_start3A_77 = arith.constant 0 : i32
    %dma_start3A_78 = tpu.memref_slice %arg4[%add3A_76, %dma_start3A_77] : memref<32768x256xf32, #tpu.memory_space<hbm>> -> memref<128x256xf32, #tpu.memory_space<hbm>>
    %dma_start3A_79 = arith.constant 0 : i32
    %dma_start3A_80 = tpu.memref_slice %arg4[%add3A_76, %dma_start3A_79] : memref<32768x256xf32, #tpu.memory_space<hbm>> -> memref<128x256xf32, #tpu.memory_space<hbm>>
    tpu.enqueue_dma source(%arg8 : memref<128x256xf32, #tpu.memory_space<vmem>>) target(%dma_start3A_80 : memref<128x256xf32, #tpu.memory_space<hbm>>) target_semaphore(%arg14 : memref<!tpu.dma_semaphore, #tpu.memory_space<semaphore_mem>>)
    %add3A_81 = arith.constant 512 : i32
    %add3A_82 = arith.addi %mul3A_2, %add3A_81 : i32
    %dma_wait3A_83 = arith.constant 0 : i32
    %dma_wait3A_84 = tpu.memref_slice %arg4[%add3A_82, %dma_wait3A_83] : memref<32768x256xf32, #tpu.memory_space<hbm>> -> memref<128x256xf32, #tpu.memory_space<hbm>>
    %dma_wait3A_85 = arith.constant 0 : i32
    %dma_wait3A_86 = tpu.memref_slice %arg4[%add3A_82, %dma_wait3A_85] : memref<32768x256xf32, #tpu.memory_space<hbm>> -> memref<128x256xf32, #tpu.memory_space<hbm>>
    tpu.wait_dma2 semaphore(%arg13 : memref<!tpu.dma_semaphore, #tpu.memory_space<semaphore_mem>>) src(%arg7 : memref<128x256xf32, #tpu.memory_space<vmem>>) dst(%dma_wait3A_86 : memref<128x256xf32, #tpu.memory_space<hbm>>)
    %dma_start3A_87 = arith.constant 896 : i32
    %dma_start3A_88 = tpu.memref_slice %arg5[%dma_start3A_87] : memref<1024xi32, #tpu.memory_space<vmem>> -> memref<128xi32, #tpu.memory_space<vmem>>
    %dma_start3A_89 = arith.constant 0 : i32
    %dma_start3A_90 = arith.constant 0 : i32
    %dma_start3A_91 = tpu.memref_slice %arg2[%dma_start3A_89, %dma_start3A_90] : memref<256x256xf32, #tpu.memory_space<hbm>> -> memref<256x256xf32, #tpu.memory_space<hbm>>
    tpu.enqueue_indirect_dma source(%dma_start3A_91 : memref<256x256xf32, #tpu.memory_space<hbm>>) target(%arg7 : memref<128x256xf32, #tpu.memory_space<vmem>>) offsets(%dma_start3A_88 : memref<128xi32, #tpu.memory_space<vmem>>) semaphore(%arg10 : memref<!tpu.dma_semaphore, #tpu.memory_space<semaphore_mem>>)
    %add3A_92 = arith.constant 768 : i32
    %add3A_93 = arith.addi %mul3A_2, %add3A_92 : i32
    %dma_start3A_94 = arith.constant 0 : i32
    %dma_start3A_95 = tpu.memref_slice %arg4[%add3A_93, %dma_start3A_94] : memref<32768x256xf32, #tpu.memory_space<hbm>> -> memref<128x256xf32, #tpu.memory_space<hbm>>
    %dma_start3A_96 = arith.constant 0 : i32
    %dma_start3A_97 = tpu.memref_slice %arg4[%add3A_93, %dma_start3A_96] : memref<32768x256xf32, #tpu.memory_space<hbm>> -> memref<128x256xf32, #tpu.memory_space<hbm>>
    tpu.enqueue_dma source(%arg6 : memref<128x256xf32, #tpu.memory_space<vmem>>) target(%dma_start3A_97 : memref<128x256xf32, #tpu.memory_space<hbm>>) target_semaphore(%arg12 : memref<!tpu.dma_semaphore, #tpu.memory_space<semaphore_mem>>)
    %add3A_98 = arith.constant 896 : i32
    %add3A_99 = arith.addi %mul3A_2, %add3A_98 : i32
    %dma_start3A_100 = arith.constant 0 : i32
    %dma_start3A_101 = tpu.memref_slice %arg4[%add3A_99, %dma_start3A_100] : memref<32768x256xf32, #tpu.memory_space<hbm>> -> memref<128x256xf32, #tpu.memory_space<hbm>>
    %dma_start3A_102 = arith.constant 0 : i32
    %dma_start3A_103 = tpu.memref_slice %arg4[%add3A_99, %dma_start3A_102] : memref<32768x256xf32, #tpu.memory_space<hbm>> -> memref<128x256xf32, #tpu.memory_space<hbm>>
    tpu.enqueue_dma source(%arg7 : memref<128x256xf32, #tpu.memory_space<vmem>>) target(%dma_start3A_103 : memref<128x256xf32, #tpu.memory_space<hbm>>) target_semaphore(%arg13 : memref<!tpu.dma_semaphore, #tpu.memory_space<semaphore_mem>>)
    %add3A_104 = arith.constant 640 : i32
    %add3A_105 = arith.addi %mul3A_2, %add3A_104 : i32
    %dma_wait3A_106 = arith.constant 0 : i32
    %dma_wait3A_107 = tpu.memref_slice %arg4[%add3A_105, %dma_wait3A_106] : memref<32768x256xf32, #tpu.memory_space<hbm>> -> memref<128x256xf32, #tpu.memory_space<hbm>>
    %dma_wait3A_108 = arith.constant 0 : i32
    %dma_wait3A_109 = tpu.memref_slice %arg4[%add3A_105, %dma_wait3A_108] : memref<32768x256xf32, #tpu.memory_space<hbm>> -> memref<128x256xf32, #tpu.memory_space<hbm>>
    tpu.wait_dma2 semaphore(%arg14 : memref<!tpu.dma_semaphore, #tpu.memory_space<semaphore_mem>>) src(%arg8 : memref<128x256xf32, #tpu.memory_space<vmem>>) dst(%dma_wait3A_109 : memref<128x256xf32, #tpu.memory_space<hbm>>)
    %add3A_110 = arith.constant 768 : i32
    %add3A_111 = arith.addi %mul3A_2, %add3A_110 : i32
    %dma_wait3A_112 = arith.constant 0 : i32
    %dma_wait3A_113 = tpu.memref_slice %arg4[%add3A_111, %dma_wait3A_112] : memref<32768x256xf32, #tpu.memory_space<hbm>> -> memref<128x256xf32, #tpu.memory_space<hbm>>
    %dma_wait3A_114 = arith.constant 0 : i32
    %dma_wait3A_115 = tpu.memref_slice %arg4[%add3A_111, %dma_wait3A_114] : memref<32768x256xf32, #tpu.memory_space<hbm>> -> memref<128x256xf32, #tpu.memory_space<hbm>>
    tpu.wait_dma2 semaphore(%arg12 : memref<!tpu.dma_semaphore, #tpu.memory_space<semaphore_mem>>) src(%arg6 : memref<128x256xf32, #tpu.memory_space<vmem>>) dst(%dma_wait3A_115 : memref<128x256xf32, #tpu.memory_space<hbm>>)
    %add3A_116 = arith.constant 896 : i32
    %add3A_117 = arith.addi %mul3A_2, %add3A_116 : i32
    %dma_wait3A_118 = arith.constant 0 : i32
    %dma_wait3A_119 = tpu.memref_slice %arg4[%add3A_117, %dma_wait3A_118] : memref<32768x256xf32, #tpu.memory_space<hbm>> -> memref<128x256xf32, #tpu.memory_space<hbm>>
    %dma_wait3A_120 = arith.constant 0 : i32
    %dma_wait3A_121 = tpu.memref_slice %arg4[%add3A_117, %dma_wait3A_120] : memref<32768x256xf32, #tpu.memory_space<hbm>> -> memref<128x256xf32, #tpu.memory_space<hbm>>
    tpu.wait_dma2 semaphore(%arg13 : memref<!tpu.dma_semaphore, #tpu.memory_space<semaphore_mem>>) src(%arg7 : memref<128x256xf32, #tpu.memory_space<vmem>>) dst(%dma_wait3A_121 : memref<128x256xf32, #tpu.memory_space<hbm>>)
    return
  }
}

module attributes {stable_mosaic.version = 14 : i64} {
  func.func @_table_body(%arg0: memref<256x64xf32, #tpu.memory_space<vmem>>, %arg1: memref<256x64xf32, #tpu.memory_space<vmem>>, %arg2: memref<1x256xf32, #tpu.memory_space<vmem>>, %arg3: memref<256x256xf32, #tpu.memory_space<vmem>>) attributes {dimension_semantics = [], scalar_prefetch = 0 : i64, scratch_operands = 0 : i64, tpu.core_type = #tpu.core_type<tc>} {
    %get3A = arith.constant 0 : index
    %get3A_0 = arith.constant 0 : index
    %get3A_1 = vector.load %arg0[%get3A, %get3A_0] : memref<256x64xf32, #tpu.memory_space<vmem>>, vector<256x64xf32>
    %get3A_2 = arith.constant 0 : index
    %get3A_3 = arith.constant 0 : index
    %get3A_4 = vector.load %arg1[%get3A_2, %get3A_3] : memref<256x64xf32, #tpu.memory_space<vmem>>, vector<256x64xf32>
    %dot_general3A = arith.constant dense<0.000000e+00> : vector<256x256xf32>
    %dot_general3A_5 = tpu.matmul %get3A_1, %get3A_4, %dot_general3A {dimension_numbers = #tpu.dot_dimension_numbers<[1], [1], [0], [0], [0, 0, 1, 0], [], []>, transpose_lhs_hint = false} : vector<256x64xf32>, vector<256x64xf32>, vector<256x256xf32> -> vector<256x256xf32>
    %get3A_6 = arith.constant 0 : index
    %get3A_7 = arith.constant 0 : index
    %get3A_8 = vector.load %arg2[%get3A_6, %get3A_7] : memref<1x256xf32, #tpu.memory_space<vmem>>, vector<1x256xf32>
    %add3A = vector.broadcast %get3A_8 : vector<1x256xf32> to vector<256x256xf32>
    %add3A_9 = arith.addf %dot_general3A_5, %add3A : vector<256x256xf32>
    %swap3A = arith.constant 0 : index
    %swap3A_10 = arith.constant 0 : index
    %swap3A_11 = vector.load %arg3[%swap3A, %swap3A_10] : memref<256x256xf32, #tpu.memory_space<vmem>>, vector<256x256xf32>
    tpu.vector_store %arg3[%swap3A, %swap3A_10], %add3A_9 {strides = array<i32>} : memref<256x256xf32, #tpu.memory_space<vmem>>, vector<256x256xf32>,
    return
  }
}

</mosaic_0001>

<sc_bundles>
// kernel: kernel.4.cloned.1.call-start
scs
__scs_entry_jumppad:
0x0: {  	(pc) =	sbr.rel $0x88, $3  }
0x1: {  	(tag) =	ssettag $0x0;
	lr =	simm.s32 $0x1  }
0x2: {  	[smem:$0x3F9D] =	sst lr;
	_ =	strace $0xD0000000  }
0x3: {  	_ = 	snop  }
0x4: {  	_ = 	snop  }
0x5: {  	_ = 	snop  }
0x6: {  	_ = 	snop  }
0x7: {  	_ = 	snop  }
__scs_overlays_trampoline_lowered:
0x8: {  	[smem:$0x3FAC] =	sst s0  }
0x9: {  	[smem:$0x3FAD] =	sst s1  }
0xa: {  	[smem:$0x3FAE] =	sst s2  }
0xb: {  	[smem:$0x3FAF] =	sst s3  }
0xc: {  	[smem:$0x3FB0] =	sst s4  }
0xd: {  	[smem:$0x3FB1] =	sst s5  }
0xe: {  	[smem:$0x3FB2] =	sst s6  }
0xf: {  	[smem:$0x3FB3] =	sst s7  }
0x10: {  	[smem:$0x3FB4] =	sst s8  }
0x11: {  	[smem:$0x3FB5] =	sst s9;
	s0 =	simm.s32 @!p0 $0x0  }
0x12: {  	s1 =	sld [smem:$0x3F9B];
	s0 =	simm.s32 @p0 $0x1  }
0x13: {  	[smem:$0x3FB6] =	sst s0;
	s0 =	simm.s32 @!p1 $0x0  }
0x14: {  	s2 =	sld [smem:$0x3F9A];
	s0 =	simm.s32 @p1 $0x1  }
0x15: {  	[smem:$0x3FB7] =	sst s0;
	s0 =	simm.s32 @!p2 $0x0  }
0x16: {  	s3 =	sld [smem:$0x3FDB];
	s0 =	simm.s32 @p2 $0x1  }
0x17: {  	s4 =	simm.s32 $0x1BF5;
	[smem:$0x3FB9] =	sst s0  }
0x18: {  	s0 =	sld [smem:$0x3F9C];
	_ =	swait.ge [sflag:s4], $0x0  }
0x19: {  	s7 =	sld [smem:$0x3F9D]  }
0x1a: {  	s8 =	sadd.s32 $0xFFFFE003, lr  }
0x1b: {  	s9 =	sadd.s32 $0xFFFFFEF7, lr;
	s5 =	simm.s32 $0xFFFFFFFF;
	p2 =	slt.u32 s8, $0xFFFFF086  }
0x1c: {  	p1 =	slt.u32 s9, $0xF7A;
	s5 =	simm.s32 @!p2 $0x0  }
0x1d: {  	s5 =	simm.s32 @p1 $0x1;
	p0 =	seq.s32 s7, s2  }
0x1e: {  	s7 =	smul.u32 @!p0 $0xF7A, s2;
	p2 =	seq.s32 @!p0 s5, $0x0  }
0x1f: {  	s9 =	smul.u32 $0xF7A, s1;
	s8 =	simm.s32 @!p0 $0x1BF5;
	p2 =	por !p2, p0  }
0x20: {  	[sflag:s8] =	ssyncset.s32 @!p0 $0xFFFFF086;
	s6 =	sadd.s32 @!p0 s3, s7;
	s7 =	simm.s32 @!p0 $0x108  }
0x21: {  	s3 =	sadd.s32 s3, s9;
	s6 =	sadd.s32 @!p0 $0x88, s6;
	s7 =	simm.s32 @p2 $0x1082  }
0x22: {  	[simem:s7], [sflag:s8] =	dma.local @!p0 [hbm:s6], $0xF7A  }
0x23: {  	s9 =	sor.u32 $0xD0000000, s2;
	s6 =	simm.s32 $0x108;
	_ =	swait.ge @!p0 [sflag:s8], $0x0  }
0x24: {  	s3 =	sadd.s32 $0x88, s3;
	s6 =	simm.s32 @!p1 $0x1082;
	[sflag:s4] =	ssyncset.s32 $0xFFFFF086  }
0x25: {  	[simem:s6], [sflag:s4] =	dma.local [hbm:s3], $0xF7A  }
0x26: {  	[smem:$0x3F9D] =	sst s1;
	(tag) =	ssettag s2;
	_ =	strace s9  }
0x27: {  	s1 =	sld [smem:$0x3FAD]  }
0x28: {  	s2 =	sld [smem:$0x3FAE]  }
0x29: {  	s4 =	sld [smem:$0x3FB0]  }
0x2a: {  	p0 =	seq.s32 s5, $0x0;
	s5 =	sld [smem:$0x3FB1]  }
0x2b: {  	s6 =	sld [smem:$0x3FB2]  }
0x2c: {  	s7 =	sld [smem:$0x3FB3]  }
0x2d: {  	s3 =	simm.s32 $0x108;
	s8 =	sld [smem:$0x3FB4]  }
0x2e: {  	s3 =	simm.s32 @!p0 $0x1082;
	s9 =	sld [smem:$0x3FB5]  }
0x2f: {  	lr =	sadd.s32 s0, s3;
	s0 =	sld [smem:$0x3FAC]  }
0x30: {  	s3 =	sld [smem:$0x3FAF]  }
0x31: {  	[smem:$0x3FB8] =	sst s10  }
0x32: {  	s10 =	sld [smem:$0x3FB6];
	_ =	sdelay $0x3  }
0x33: {  	p0 =	seq.s32 s10, $0x1;
	s10 =	sld [smem:$0x3FB8];
	_ =	sdelay $0x3  }
0x34: {  	[smem:$0x3FB8] =	sst s10  }
0x35: {  	s10 =	sld [smem:$0x3FB7];
	_ =	sdelay $0x3  }
0x36: {  	p1 =	seq.s32 s10, $0x1;
	s10 =	sld [smem:$0x3FB8];
	_ =	sdelay $0x3  }
0x37: {  	[smem:$0x3FB8] =	sst s10  }
0x38: {  	s10 =	sld [smem:$0x3FB9]  }
0x39: {  	_ = 	snop;
	(pc) =	sbr.ind lr, $3  }
0x3a: {  	_ = 	snop  }
0x3b: {  	_ = 	snop  }
0x3c: {  	p2 =	seq.s32 s10, $0x1;
	s10 =	sld [smem:$0x3FB8]  }
0x3d: {  	_ =	shalt  }
0x3e: {  	_ =	shalt  }
0x3f: {  	_ =	shalt  }
0x40: {  	_ =	shalt  }
0x41: {  	_ =	shalt  }
0x42: {  	_ =	shalt  }
0x43: {  	_ =	shalt  }
0x44: {  	_ =	shalt  }
0x45: {  	_ =	shalt  }
0x46: {  	_ =	shalt  }
0x47: {  	_ =	shalt  }
0x48: {  	_ =	shalt  }
0x49: {  	_ =	shalt  }
0x4a: {  	_ =	shalt  }
0x4b: {  	_ =	shalt  }
0x4c: {  	_ =	shalt  }
0x4d: {  	_ =	shalt  }
0x4e: {  	_ =	shalt  }
0x4f: {  	_ =	shalt  }
0x50: {  	_ =	shalt  }
0x51: {  	_ =	shalt  }
0x52: {  	_ =	shalt  }
0x53: {  	_ =	shalt  }
0x54: {  	_ =	shalt  }
0x55: {  	_ =	shalt  }
0x56: {  	_ =	shalt  }
0x57: {  	_ =	shalt  }
0x58: {  	_ =	shalt  }
0x59: {  	_ =	shalt  }
0x5a: {  	_ =	shalt  }
0x5b: {  	_ =	shalt  }
0x5c: {  	_ =	shalt  }
0x5d: {  	_ =	shalt  }
0x5e: {  	_ =	shalt  }
0x5f: {  	_ =	shalt  }
0x60: {  	_ =	shalt  }
0x61: {  	_ =	shalt  }
0x62: {  	_ =	shalt  }
0x63: {  	_ =	shalt  }
0x64: {  	_ =	shalt  }
0x65: {  	_ =	shalt  }
0x66: {  	_ =	shalt  }
0x67: {  	_ =	shalt  }
0x68: {  	_ =	shalt  }
0x69: {  	_ =	shalt  }
0x6a: {  	_ =	shalt  }
0x6b: {  	_ =	shalt  }
0x6c: {  	_ =	shalt  }
0x6d: {  	_ =	shalt  }
0x6e: {  	_ =	shalt  }
0x6f: {  	_ =	shalt  }
0x70: {  	_ =	shalt  }
0x71: {  	_ =	shalt  }
0x72: {  	_ =	shalt  }
0x73: {  	_ =	shalt  }
0x74: {  	_ =	shalt  }
0x75: {  	_ =	shalt  }
0x76: {  	_ =	shalt  }
0x77: {  	_ =	shalt  }
0x78: {  	_ =	shalt  }
0x79: {  	_ =	shalt  }
0x7a: {  	_ =	shalt  }
0x7b: {  	_ =	shalt  }
0x7c: {  	_ =	shalt  }
0x7d: {  	_ =	shalt  }
0x7e: {  	_ =	shalt  }
0x7f: {  	_ =	shalt  }
0x80: {  	_ =	shalt  }
0x81: {  	_ =	shalt  }
0x82: {  	_ =	shalt  }
0x83: {  	_ =	shalt  }
0x84: {  	_ =	shalt  }
0x85: {  	_ =	shalt  }
0x86: {  	_ =	shalt  }
0x87: {  	_ =	shalt  }
.Lfunc_end0:
.L_simem_size_0:
called_computation_lowered:
.L_overlay_start_0:
0x88: {  	s2 =	sld [smem:$0x3FD9]  }
0x89: {  	s3 =	sld [smem:$0x3FFE];
	_ =	sdelay $0x1  }
0x8a: {  	s1 =	srdreg.scid  }
0x8b: {  	s0 =	sand.u32 $0x1, s1  }
0x8c: {  	s17 =	sshll.u32 s0, $0xA;
	s2 =	sadd.s32 s3, s2  }
0x8d: {  	s2 =	sadd.s32 s2, s17  }
0x8e: {  	[smem:$0x3FC4] =	sst s2  }
0x8f: {  	_ = 	snop  }
0x90: {  	s2 =	sld [smem:$0x3FD0];
	(tm) =	ssettm $0x1  }
0x91: {  	s18 =	sld [smem:$0x3FFB];
	_ =	sdelay $0x3  }
0x92: {  	_ =	strace s18  }
0x93: {  	s3 =	sld [smem:$0x3FFC];
	_ =	sdelay $0x3  }
0x94: {  	_ =	strace s3  }
0x95: {  	s3 =	sld [smem:$0x3FFD];
	_ =	sdelay $0x3  }
0x96: {  	_ =	strace s3  }
0x97: {  	_ =	strace $0x8FFFFFFF  }
0x98: {  	s19 =	sld [smem:$0x3FDB];
	_ =	sdelay $0x1  }
0x99: {  	s4 =	simm.s32 $_scs_section_size  }
0x9a: {  	s5 =	simm.s32 $_size__tile_overlayer_lowered;
	s6 =	simm.s32 $_tile_overlayer_lowered  }
0x9b: {  	s22 =	simm.s32 $0x1BFF;
	s21 =	sshll.u32 s6, $0x1;
	s3 =	sadd.s32 s4, s19  }
0x9c: {  	s7 =	simm.s32 $0x0;
	s20 =	sshll.u32 s5, $0x1;
	s5 =	sadd.s32 s21, s3  }
0x9d: {  	[timem:s7], [sflag:s22] =	dma.local [hbm:s5], s20  }
0x9e: {  	_ =	swait.ge [sflag:s22], s20  }
0x9f: {  	s4 =	ssub.s32 $0x0, s20;
	[sflag:s22] =	ssyncset.done $0x0  }
0xa0: {  	[sflag:s22] =	ssyncadd.s32 s4;
	_ =	sdelay $0x1  }
0xa1: {  	s23 =	simm.s32 $0x1B8B  }
0xa2: {  	_ =	swait.ge [sflag:s23], $0x1  }
0xa3: {  	[sflag:s23] =	ssyncset.done $0x0  }
0xa4: {  	s25 =	simm.s32 $0x1B8E;
	s24 =	sld [smem:$0x3FFE];
	[sflag:s23] =	ssyncadd.s32 $0xFFFFFFFF  }
0xa5: {  	s26 =	simm.s32 $execute0_lowered;
	[smem:$0x3FD2] =	sst s25  }
0xa6: {  	s5 =	sshll.u32 s26, $0x1;
	_ =	strace $0x80000046;
	[dreg:$0x1] =	wrdreg $0xFFFFFFFF  }
0xa7: {  	s28 =	simm.s32 $_size_execute0_lowered;
	s3 =	sadd.s32 s3, s5;
	[dreg:$0x0] =	wrdreg $0x0  }
0xa8: {  	s5 =	sshll.u32 s28, $0x1;
	[dreg:$0x2] =	wrdreg s3  }
0xa9: {  	[dreg:$0x3] =	wrdreg s5  }
0xaa: {  	[dreg:$0x4] =	wrdreg $0xC0  }
0xab: {  	_ =	task [dreg:s7], $0x5FFFF  }
0xac: {  	[dreg:$0x1] =	wrdreg $0xFFFFFFFF  }
0xad: {  	[dreg:$0x0] =	wrdreg $0x60  }
0xae: {  	[dreg:$0x2] =	wrdreg s24  }
0xaf: {  	[dreg:$0x3] =	wrdreg s2  }
0xb0: {  	[dreg:$0x4] =	wrdreg $0x9  }
0xb1: {  	_ =	task.clear_ibuf [dreg:s7], $0x5FFFF;
	_ =	strace $0x90000046  }
0xb2: {  	s29 =	simm.s32 $0x9;
	_ =	strace $0x80000048  }
0xb3: {  	_ =	swait.ge [sflag:s29], $0x1  }
0xb4: {  	[sflag:s29] =	ssyncadd.s32 $0xFFFFFFFF  }
0xb5: {  	_ =	strace $0x90000048  }
0xb6: {  	_ =	sfence  }
0xb7: {  	s30 =	sld [smem:$0x0];
	_ =	sdelay $0x2  }
0xb8: {  	s31 =	sshll.u32 s1, $0xD;
	s1 =	sshrl.u32 s1, $0x2  }
0xb9: {  	s3 =	sand.u32 $0x4000, s31;
	s1 =	sadd.s32 s1, s30  }
0xba: {  	s0 =	sor.u32 s3, s0;
	s1 =	sshll.u32 s1, $0x11  }
0xbb: {  	s0 =	sor.u32 s1, s0  }
0xbc: {  	s0 =	sadd.s32 $0x8F2B, s0  }
0xbd: {  	[sflag:s0] =	ssyncadd.remote.s32 $0x1  }
0xbe: {  	_ =	sfence.sel $0xFFFF  }
0xbf: {  	[dreg:$0x0] =	wrdreg $0xFFFFFFFF;
	(pc) =	sbr.abs _section_cstart, $3  }
0xc0: {  	[dreg:$0x1] =	wrdreg $0xFFFFFFFF  }
0xc1: {  	_ =	task.clear_ibuf [dreg:s7], $0x2FFFF;
	_ =	strace $0x9FFFFFFF  }
0xc2: {  	(tm) =	ssettm $0x7FFFFFFF  }
0xc3: {  	_ =	shalt  }
tec
execute0_lowered:
.L_overlay_start_1:
0x0: {  	(tag) =	ssettag $0x1  }
0x1: {  	s0 =	srdreg.scid  }
0x2: {  	s2 =	stileid.u32;
	s0 =	sand.u32 $0x1, s0  }
0x3: {  	s1 =	rddreg [dreg:$0x0];
	s2 =	sshll.u32 s2, $0xB;
	s3 =	sshll.u32 s0, $0xA  }
0x4: {  	s4 =	rddreg [dreg:$0x1];
	s3 =	sor.u32 s3, s2;
	s2 =	simm.s32 $0x0  }
0x5: {  	s12 =	simm.s32 $0x10C00;
	[smem:$0x7FF] =	sst s2  }
0x6: {  	s13 =	simm.s32 $0x11400;
	_ =	strace $0x80000047;
	[dreg:$0xb] =	wrdreg s12  }
0x7: {  	s14 =	simm.s32 $0x11C00;
	[dreg:$0xc] =	wrdreg s13  }
0x8: {  	s15 =	simm.s32 $0x12400;
	[dreg:$0xd] =	wrdreg s14  }
0x9: {  	s16 =	simm.s32 $0x12C00;
	s17 =	simm.s32 $0x13400;
	[dreg:$0xe] =	wrdreg s15  }
0xa: {  	s18 =	simm.s32 $0x13C00;
	s19 =	simm.s32 $0x14400;
	[dreg:$0xf] =	wrdreg s16  }
0xb: {  	s20 =	simm.s32 $0x14C00;
	s21 =	simm.s32 $0x15400;
	[dreg:$0x10] =	wrdreg s17  }
0xc: {  	s22 =	simm.s32 $0x15C00;
	s23 =	simm.s32 $0x16400;
	[dreg:$0x11] =	wrdreg s18  }
0xd: {  	s24 =	simm.s32 $0x16C00;
	s25 =	simm.s32 $0x17400;
	[dreg:$0x12] =	wrdreg s19  }
0xe: {  	s26 =	simm.s32 $0x17C00;
	s28 =	simm.s32 $0x2400;
	[dreg:$0x13] =	wrdreg s20  }
0xf: {  	s29 =	simm.s32 $0x2C00;
	s30 =	simm.s32 $0x3400;
	[dreg:$0x14] =	wrdreg s21  }
0x10: {  	s31 =	simm.s32 $0x3C00;
	s0 =	ssub.s32 $0x2, s0;
	[dreg:$0x15] =	wrdreg s22  }
0x11: {  	s9 =	sshrl.u32 s0, $0x1;
	s5 =	sshrl.u32 s3, $0x3;
	[dreg:$0x16] =	wrdreg s23  }
0x12: {  	s3 =	sshll.u32 s3, $0x5;
	s0 =	ssub.s32 s0, s9;
	[dreg:$0x17] =	wrdreg s24  }
0x13: {  	s9 =	simm.s32 $0x4;
	s5 =	sadd.s32 s5, s1;
	[dreg:$0x18] =	wrdreg s25  }
0x14: {  	s3 =	sadd.s32 s4, s3;
	[dreg:$0x19] =	wrdreg s26;
	s26 =	simm.s32 $0x5  }
0x15: {  	s19 =	simm.s32 $0x6;
	s22 =	simm.s32 $0xC00;
	s23 =	simm.s32 $0x1400  }
0x16: {  	s24 =	simm.s32 $0x1C00;
	s12 =	simm.s32 $0x6400;
	s13 =	simm.s32 $0x6C00  }
0x17: {  	s14 =	simm.s32 $0x7400;
	s5 =	sadd.s32 $0x800, s5;
	[dreg:$0x1a] =	wrdreg s3  }
0x18: {  	s15 =	simm.s32 $0x7C00;
	s4 =	sadd.s32 $0x1000, s3;
	[dreg:$0x3] =	wrdreg s5  }
0x19: {  	s16 =	simm.s32 $0x8C00;
	s6 =	sadd.s32 $0x3000, s3;
	[dreg:$0x4] =	wrdreg s4  }
0x1a: {  	s17 =	simm.s32 $0x9400;
	s7 =	sadd.s32 $0x4000, s3;
	[dreg:$0x6] =	wrdreg s6  }
0x1b: {  	s18 =	simm.s32 $0x9C00;
	s8 =	sadd.s32 $0x5000, s3;
	[dreg:$0x7] =	wrdreg s7  }
0x1c: {  	s25 =	simm.s32 $0xB400;
	s10 =	sadd.s32 $0x6000, s3;
	[dreg:$0x8] =	wrdreg s8  }
0x1d: {  	s11 =	sadd.s32 $0x7000, s3;
	s5 =	sadd.s32 $0x2000, s3;
	[dreg:$0x9] =	wrdreg s10  }
0x1e: {  	v2 =	vlaneseq.u32;
	s4 =	sadd.s32 $0x1800, s1;
	[dreg:$0xa] =	wrdreg s11;
	s8 =	simm.s32 $0x400  }
0x1f: {  	vm0 =	vmmov $0xffff;
	v1 =	vshrl.u32 v2, $0x3;
	s10 =	simm.s32 $0x5400;
	s11 =	simm.s32 $0x5C00;
	s7 =	simm.s32 $0x10400  }
0x20: {  	v0 =	vand.u32 $0x7, v2;
	v2 =	vor.u32 $0x8, v2;
	v1 =	vmul.u32 $0x8, v1;
	s6 =	simm.s32 $0xAC00;
	[dreg:$0x5] =	wrdreg s5;
	s5 =	smax.u32 s0, $0x1  }
.LBB2_1:
0x21: {  	s20 =	rddreg [dreg:$0x3];
	s0 =	simm.s32 $0x7  }
0x22: {  	[tilespmem:s2], [sflag:$0x7] =	stream.linear.gather [hbm4b:s20+s2], $0x400, $0x38;
	[tilespmem:$0x18400] =	vst v63  }
0x23: {  	_ =	swait.ge [sflag:s0], $0x400  }
0x24: {  	[sflag:s0] =	ssyncset.done $0x0  }
0x25: {  	s1 =	rddreg [dreg:$0x1a];
	[sflag:s0] =	ssyncadd.s32 $0xFFFFFC00  }
0x26: {  	[hbm4b:s1+s2] =	stream.linear.scatter [tilespmem:s8], [sflag:$0x4], $0x8000, $0x38;
	[tilespmem:$0x18400] =	vst v63  }
0x27: {  	s21 =	rddreg [dreg:$0x4];
	s0 =	simm.s32 $0x8400  }
0x28: {  	[hbm4b:s21+s2] =	stream.linear.scatter [tilespmem:s0], [sflag:$0x5], $0x8000, $0x38;
	[tilespmem:$0x18400] =	vst v63  }
0x29: {  	_ =	swait.ge [sflag:s9], $0x8000  }
0x2a: {  	[sflag:s9] =	ssyncset.done $0x0  }
0x2b: {  	[sflag:s9] =	ssyncadd.s32 $0xFFFF8000  }
0x2c: {  	v3 =	vld [tilespmem:$0x180];
	_ =	sdelay $0x4  }
0x2d: {  	v4 =	vshll.u32 v3, $0x1  }
0x2e: {  	v3 =	vand.u32 $0x7, v3;
	v4 =	vand.u32 $0xFFFFFFF0, v4  }
0x2f: {  	v3 =	vor.u32 v3, v4  }
0x30: {  	v4 =	vperm.xlane v3, v0;
	_ =	sdelay $0x1  }
0x31: {  	v3 =	vperm.xlane v3, v2;
	v4 =	vadd.s32 v1, v4;
	_ =	sdelay $0x1  }
0x32: {  	v3 =	vadd.s32 v1, v3;
	_ =	sdelay $0x2  }
0x33: {  	[tilespmem:s8], [sflag:$0x1] =	stream.indirect_vreg.gather [hbm4b:s4+s2], $0x80, v4, vm0, $0xb8;
	[tilespmem:$0x18400] =	vst v63  }
0x34: {  	_ = 	snop  }
0x35: {  	[tilespmem:s22], [sflag:$0x1] =	stream.indirect_vreg.gather [hbm4b:s4+s2], $0x80, v3, vm0, $0xb8;
	[tilespmem:$0x18400] =	vst v63  }
0x36: {  	v3 =	vld [tilespmem:$0x190];
	_ =	sdelay $0x4  }
0x37: {  	v25 =	vshll.u32 v3, $0x1  }
0x38: {  	v3 =	vand.u32 $0x7, v3;
	v4 =	vand.u32 $0xFFFFFFF0, v25  }
0x39: {  	v3 =	vor.u32 v3, v4  }
0x3a: {  	v4 =	vperm.xlane v3, v0;
	_ =	sdelay $0x1  }
0x3b: {  	v3 =	vperm.xlane v3, v2;
	v4 =	vadd.s32 v1, v4;
	_ =	sdelay $0x1  }
0x3c: {  	v3 =	vadd.s32 v1, v3;
	_ =	sdelay $0x2  }
0x3d: {  	[tilespmem:s23], [sflag:$0x1] =	stream.indirect_vreg.gather [hbm4b:s4+s2], $0x80, v4, vm0, $0xb8;
	[tilespmem:$0x18400] =	vst v63  }
0x3e: {  	_ = 	snop  }
0x3f: {  	[tilespmem:s24], [sflag:$0x1] =	stream.indirect_vreg.gather [hbm4b:s4+s2], $0x80, v3, vm0, $0xb8;
	[tilespmem:$0x18400] =	vst v63  }
0x40: {  	v3 =	vld [tilespmem:$0x1A0];
	_ =	sdelay $0x4  }
0x41: {  	v26 =	vshll.u32 v3, $0x1  }
0x42: {  	v3 =	vand.u32 $0x7, v3;
	v4 =	vand.u32 $0xFFFFFFF0, v26  }
0x43: {  	v3 =	vor.u32 v3, v4  }
0x44: {  	v4 =	vperm.xlane v3, v0;
	_ =	sdelay $0x1  }
0x45: {  	v3 =	vperm.xlane v3, v2;
	v4 =	vadd.s32 v1, v4;
	_ =	sdelay $0x1  }
0x46: {  	v3 =	vadd.s32 v1, v3;
	_ =	sdelay $0x2  }
0x47: {  	[tilespmem:s28], [sflag:$0x1] =	stream.indirect_vreg.gather [hbm4b:s4+s2], $0x80, v4, vm0, $0xb8;
	[tilespmem:$0x18400] =	vst v63  }
0x48: {  	_ = 	snop  }
0x49: {  	[tilespmem:s29], [sflag:$0x1] =	stream.indirect_vreg.gather [hbm4b:s4+s2], $0x80, v3, vm0, $0xb8;
	[tilespmem:$0x18400] =	vst v63  }
0x4a: {  	v3 =	vld [tilespmem:$0x1B0];
	_ =	sdelay $0x4  }
0x4b: {  	v27 =	vshll.u32 v3, $0x1  }
0x4c: {  	v3 =	vand.u32 $0x7, v3;
	v4 =	vand.u32 $0xFFFFFFF0, v27  }
0x4d: {  	v3 =	vor.u32 v3, v4  }
0x4e: {  	v4 =	vperm.xlane v3, v0;
	_ =	sdelay $0x1  }
0x4f: {  	v3 =	vperm.xlane v3, v2;
	v4 =	vadd.s32 v1, v4;
	_ =	sdelay $0x1  }
0x50: {  	v3 =	vadd.s32 v1, v3;
	_ =	sdelay $0x2  }
0x51: {  	[tilespmem:s30], [sflag:$0x1] =	stream.indirect_vreg.gather [hbm4b:s4+s2], $0x80, v4, vm0, $0xb8;
	[tilespmem:$0x18400] =	vst v63  }
0x52: {  	_ = 	snop  }
0x53: {  	[tilespmem:s31], [sflag:$0x1] =	stream.indirect_vreg.gather [hbm4b:s4+s2], $0x80, v3, vm0, $0xb8;
	[tilespmem:$0x18400] =	vst v63  }
0x54: {  	v3 =	vld [tilespmem:$0x1C0];
	_ =	sdelay $0x4  }
0x55: {  	v28 =	vshll.u32 v3, $0x1  }
0x56: {  	v3 =	vand.u32 $0x7, v3;
	v4 =	vand.u32 $0xFFFFFFF0, v28  }
0x57: {  	v3 =	vor.u32 v3, v4  }
0x58: {  	v4 =	vperm.xlane v3, v0;
	_ =	sdelay $0x1  }
0x59: {  	v3 =	vperm.xlane v3, v2;
	v4 =	vadd.s32 v1, v4;
	_ =	sdelay $0x1  }
0x5a: {  	v3 =	vadd.s32 v1, v3;
	_ =	sdelay $0x1  }
0x5b: {  	s1 =	simm.s32 $0x4400  }
0x5c: {  	[tilespmem:s1], [sflag:$0x1] =	stream.indirect_vreg.gather [hbm4b:s4+s2], $0x80, v4, vm0, $0xb8;
	[tilespmem:$0x18400] =	vst v63  }
0x5d: {  	s3 =	simm.s32 $0x4C00  }
0x5e: {  	[tilespmem:s3], [sflag:$0x1] =	stream.indirect_vreg.gather [hbm4b:s4+s2], $0x80, v3, vm0, $0xb8;
	[tilespmem:$0x18400] =	vst v63  }
0x5f: {  	v3 =	vld [tilespmem:$0x1D0];
	_ =	sdelay $0x4  }
0x60: {  	v29 =	vshll.u32 v3, $0x1  }
0x61: {  	v3 =	vand.u32 $0x7, v3;
	v4 =	vand.u32 $0xFFFFFFF0, v29  }
0x62: {  	v3 =	vor.u32 v3, v4  }
0x63: {  	v4 =	vperm.xlane v3, v0;
	_ =	sdelay $0x1  }
0x64: {  	v3 =	vperm.xlane v3, v2;
	v4 =	vadd.s32 v1, v4;
	_ =	sdelay $0x1  }
0x65: {  	v3 =	vadd.s32 v1, v3;
	_ =	sdelay $0x2  }
0x66: {  	[tilespmem:s10], [sflag:$0x1] =	stream.indirect_vreg.gather [hbm4b:s4+s2], $0x80, v4, vm0, $0xb8;
	[tilespmem:$0x18400] =	vst v63  }
0x67: {  	_ = 	snop  }
0x68: {  	[tilespmem:s11], [sflag:$0x1] =	stream.indirect_vreg.gather [hbm4b:s4+s2], $0x80, v3, vm0, $0xb8;
	[tilespmem:$0x18400] =	vst v63  }
0x69: {  	v3 =	vld [tilespmem:$0x1E0];
	_ =	sdelay $0x4  }
0x6a: {  	v30 =	vshll.u32 v3, $0x1  }
0x6b: {  	v3 =	vand.u32 $0x7, v3;
	v4 =	vand.u32 $0xFFFFFFF0, v30  }
0x6c: {  	v3 =	vor.u32 v3, v4  }
0x6d: {  	v4 =	vperm.xlane v3, v0;
	_ =	sdelay $0x1  }
0x6e: {  	v3 =	vperm.xlane v3, v2;
	v4 =	vadd.s32 v1, v4;
	_ =	sdelay $0x1  }
0x6f: {  	v3 =	vadd.s32 v1, v3;
	_ =	sdelay $0x2  }
0x70: {  	[tilespmem:s12], [sflag:$0x1] =	stream.indirect_vreg.gather [hbm4b:s4+s2], $0x80, v4, vm0, $0xb8;
	[tilespmem:$0x18400] =	vst v63  }
0x71: {  	_ = 	snop  }
0x72: {  	[tilespmem:s13], [sflag:$0x1] =	stream.indirect_vreg.gather [hbm4b:s4+s2], $0x80, v3, vm0, $0xb8;
	[tilespmem:$0x18400] =	vst v63  }
0x73: {  	v3 =	vld [tilespmem:$0x1F0];
	_ =	sdelay $0x4  }
0x74: {  	v31 =	vshll.u32 v3, $0x1  }
0x75: {  	v3 =	vand.u32 $0x7, v3;
	v4 =	vand.u32 $0xFFFFFFF0, v31  }
0x76: {  	v3 =	vor.u32 v3, v4  }
0x77: {  	v4 =	vperm.xlane v3, v0;
	_ =	sdelay $0x1  }
0x78: {  	v3 =	vperm.xlane v3, v2;
	v4 =	vadd.s32 v1, v4;
	_ =	sdelay $0x1  }
0x79: {  	v3 =	vadd.s32 v1, v3;
	_ =	sdelay $0x2  }
0x7a: {  	[tilespmem:s14], [sflag:$0x1] =	stream.indirect_vreg.gather [hbm4b:s4+s2], $0x80, v4, vm0, $0xb8;
	[tilespmem:$0x18400] =	vst v63  }
0x7b: {  	_ = 	snop  }
0x7c: {  	[tilespmem:s15], [sflag:$0x1] =	stream.indirect_vreg.gather [hbm4b:s4+s2], $0x80, v3, vm0, $0xb8;
	[tilespmem:$0x18400] =	vst v63  }
0x7d: {  	s3 =	rddreg [dreg:$0x5]  }
0x7e: {  	[hbm4b:s3+s2] =	stream.linear.scatter [tilespmem:s7], [sflag:$0x6], $0x8000, $0x38;
	[tilespmem:$0x18400] =	vst v63  }
0x7f: {  	_ =	swait.ge [sflag:s26], $0x8000  }
0x80: {  	[sflag:s26] =	ssyncset.done $0x0  }
0x81: {  	[sflag:s26] =	ssyncadd.s32 $0xFFFF8000  }
0x82: {  	v3 =	vld [tilespmem:$0x200];
	_ =	sdelay $0x4  }
0x83: {  	v32 =	vshll.u32 v3, $0x1  }
0x84: {  	v3 =	vand.u32 $0x7, v3;
	v4 =	vand.u32 $0xFFFFFFF0, v32  }
0x85: {  	v3 =	vor.u32 v3, v4  }
0x86: {  	v4 =	vperm.xlane v3, v0;
	_ =	sdelay $0x1  }
0x87: {  	v3 =	vperm.xlane v3, v2;
	v4 =	vadd.s32 v1, v4;
	_ =	sdelay $0x1  }
0x88: {  	v3 =	vadd.s32 v1, v3;
	_ =	sdelay $0x2  }
0x89: {  	[tilespmem:s0], [sflag:$0x2] =	stream.indirect_vreg.gather [hbm4b:s4+s2], $0x80, v4, vm0, $0xb8;
	[tilespmem:$0x18400] =	vst v63  }
0x8a: {  	_ = 	snop  }
0x8b: {  	[tilespmem:s16], [sflag:$0x2] =	stream.indirect_vreg.gather [hbm4b:s4+s2], $0x80, v3, vm0, $0xb8;
	[tilespmem:$0x18400] =	vst v63  }
0x8c: {  	v3 =	vld [tilespmem:$0x210];
	_ =	sdelay $0x4  }
0x8d: {  	v33 =	vshll.u32 v3, $0x1  }
0x8e: {  	v3 =	vand.u32 $0x7, v3;
	v4 =	vand.u32 $0xFFFFFFF0, v33  }
0x8f: {  	v3 =	vor.u32 v3, v4  }
0x90: {  	v4 =	vperm.xlane v3, v0;
	_ =	sdelay $0x1  }
0x91: {  	v3 =	vperm.xlane v3, v2;
	v4 =	vadd.s32 v1, v4;
	_ =	sdelay $0x1  }
0x92: {  	v3 =	vadd.s32 v1, v3;
	_ =	sdelay $0x2  }
0x93: {  	[tilespmem:s17], [sflag:$0x2] =	stream.indirect_vreg.gather [hbm4b:s4+s2], $0x80, v4, vm0, $0xb8;
	[tilespmem:$0x18400] =	vst v63  }
0x94: {  	_ = 	snop  }
0x95: {  	[tilespmem:s18], [sflag:$0x2] =	stream.indirect_vreg.gather [hbm4b:s4+s2], $0x80, v3, vm0, $0xb8;
	[tilespmem:$0x18400] =	vst v63  }
0x96: {  	v3 =	vld [tilespmem:$0x220];
	_ =	sdelay $0x4  }
0x97: {  	v34 =	vshll.u32 v3, $0x1  }
0x98: {  	v3 =	vand.u32 $0x7, v3;
	v4 =	vand.u32 $0xFFFFFFF0, v34  }
0x99: {  	v3 =	vor.u32 v3, v4  }
0x9a: {  	v4 =	vperm.xlane v3, v0;
	_ =	sdelay $0x1  }
0x9b: {  	v3 =	vperm.xlane v3, v2;
	v4 =	vadd.s32 v1, v4;
	_ =	sdelay $0x1  }
0x9c: {  	v3 =	vadd.s32 v1, v3;
	_ =	sdelay $0x1  }
0x9d: {  	s3 =	simm.s32 $0xA400  }
0x9e: {  	[tilespmem:s3], [sflag:$0x2] =	stream.indirect_vreg.gather [hbm4b:s4+s2], $0x80, v4, vm0, $0xb8;
	[tilespmem:$0x18400] =	vst v63  }
0x9f: {  	_ = 	snop  }
0xa0: {  	[tilespmem:s6], [sflag:$0x2] =	stream.indirect_vreg.gather [hbm4b:s4+s2], $0x80, v3, vm0, $0xb8;
	[tilespmem:$0x18400] =	vst v63  }
0xa1: {  	v3 =	vld [tilespmem:$0x230];
	_ =	sdelay $0x4  }
0xa2: {  	v35 =	vshll.u32 v3, $0x1  }
0xa3: {  	v3 =	vand.u32 $0x7, v3;
	v4 =	vand.u32 $0xFFFFFFF0, v35  }
0xa4: {  	v3 =	vor.u32 v3, v4  }
0xa5: {  	v4 =	vperm.xlane v3, v0;
	_ =	sdelay $0x1  }
0xa6: {  	v3 =	vperm.xlane v3, v2;
	v4 =	vadd.s32 v1, v4;
	_ =	sdelay $0x1  }
0xa7: {  	v3 =	vadd.s32 v1, v3;
	_ =	sdelay $0x2  }
0xa8: {  	[tilespmem:s25], [sflag:$0x2] =	stream.indirect_vreg.gather [hbm4b:s4+s2], $0x80, v4, vm0, $0xb8;
	[tilespmem:$0x18400] =	vst v63  }
0xa9: {  	s21 =	simm.s32 $0xBC00  }
0xaa: {  	[tilespmem:s21], [sflag:$0x2] =	stream.indirect_vreg.gather [hbm4b:s4+s2], $0x80, v3, vm0, $0xb8;
	[tilespmem:$0x18400] =	vst v63  }
0xab: {  	v3 =	vld [tilespmem:$0x240];
	_ =	sdelay $0x4  }
0xac: {  	v36 =	vshll.u32 v3, $0x1  }
0xad: {  	v3 =	vand.u32 $0x7, v3;
	v4 =	vand.u32 $0xFFFFFFF0, v36  }
0xae: {  	v3 =	vor.u32 v3, v4  }
0xaf: {  	v4 =	vperm.xlane v3, v0;
	_ =	sdelay $0x1  }
0xb0: {  	v3 =	vperm.xlane v3, v2;
	v4 =	vadd.s32 v1, v4;
	_ =	sdelay $0x1  }
0xb1: {  	v3 =	vadd.s32 v1, v3;
	_ =	sdelay $0x1  }
0xb2: {  	s21 =	simm.s32 $0xC400  }
0xb3: {  	[tilespmem:s21], [sflag:$0x2] =	stream.indirect_vreg.gather [hbm4b:s4+s2], $0x80, v4, vm0, $0xb8;
	[tilespmem:$0x18400] =	vst v63  }
0xb4: {  	s21 =	simm.s32 $0xCC00  }
0xb5: {  	[tilespmem:s21], [sflag:$0x2] =	stream.indirect_vreg.gather [hbm4b:s4+s2], $0x80, v3, vm0, $0xb8;
	[tilespmem:$0x18400] =	vst v63  }
0xb6: {  	v3 =	vld [tilespmem:$0x250];
	_ =	sdelay $0x4  }
0xb7: {  	v37 =	vshll.u32 v3, $0x1  }
0xb8: {  	v3 =	vand.u32 $0x7, v3;
	v4 =	vand.u32 $0xFFFFFFF0, v37  }
0xb9: {  	v3 =	vor.u32 v3, v4  }
0xba: {  	v4 =	vperm.xlane v3, v0;
	_ =	sdelay $0x1  }
0xbb: {  	v3 =	vperm.xlane v3, v2;
	v4 =	vadd.s32 v1, v4;
	_ =	sdelay $0x1  }
0xbc: {  	v3 =	vadd.s32 v1, v3;
	_ =	sdelay $0x1  }
0xbd: {  	s21 =	simm.s32 $0xD400  }
0xbe: {  	[tilespmem:s21], [sflag:$0x2] =	stream.indirect_vreg.gather [hbm4b:s4+s2], $0x80, v4, vm0, $0xb8;
	[tilespmem:$0x18400] =	vst v63  }
0xbf: {  	s21 =	simm.s32 $0xDC00  }
0xc0: {  	[tilespmem:s21], [sflag:$0x2] =	stream.indirect_vreg.gather [hbm4b:s4+s2], $0x80, v3, vm0, $0xb8;
	[tilespmem:$0x18400] =	vst v63  }
0xc1: {  	v3 =	vld [tilespmem:$0x260];
	_ =	sdelay $0x4  }
0xc2: {  	v38 =	vshll.u32 v3, $0x1  }
0xc3: {  	v3 =	vand.u32 $0x7, v3;
	v4 =	vand.u32 $0xFFFFFFF0, v38  }
0xc4: {  	v3 =	vor.u32 v3, v4  }
0xc5: {  	v4 =	vperm.xlane v3, v0;
	_ =	sdelay $0x1  }
0xc6: {  	v3 =	vperm.xlane v3, v2;
	v4 =	vadd.s32 v1, v4;
	_ =	sdelay $0x1  }
0xc7: {  	v3 =	vadd.s32 v1, v3;
	_ =	sdelay $0x1  }
0xc8: {  	s21 =	simm.s32 $0xE400  }
0xc9: {  	[tilespmem:s21], [sflag:$0x2] =	stream.indirect_vreg.gather [hbm4b:s4+s2], $0x80, v4, vm0, $0xb8;
	[tilespmem:$0x18400] =	vst v63  }
0xca: {  	s21 =	simm.s32 $0xEC00  }
0xcb: {  	[tilespmem:s21], [sflag:$0x2] =	stream.indirect_vreg.gather [hbm4b:s4+s2], $0x80, v3, vm0, $0xb8;
	[tilespmem:$0x18400] =	vst v63  }
0xcc: {  	v3 =	vld [tilespmem:$0x270];
	_ =	sdelay $0x4  }
0xcd: {  	v39 =	vshll.u32 v3, $0x1  }
0xce: {  	v3 =	vand.u32 $0x7, v3;
	v4 =	vand.u32 $0xFFFFFFF0, v39  }
0xcf: {  	v3 =	vor.u32 v3, v4  }
0xd0: {  	v4 =	vperm.xlane v3, v0;
	_ =	sdelay $0x1  }
0xd1: {  	v3 =	vperm.xlane v3, v2;
	v4 =	vadd.s32 v1, v4;
	_ =	sdelay $0x1  }
0xd2: {  	v3 =	vadd.s32 v1, v3;
	_ =	sdelay $0x1  }
0xd3: {  	s21 =	simm.s32 $0xF400  }
0xd4: {  	[tilespmem:s21], [sflag:$0x2] =	stream.indirect_vreg.gather [hbm4b:s4+s2], $0x80, v4, vm0, $0xb8;
	[tilespmem:$0x18400] =	vst v63  }
0xd5: {  	s21 =	simm.s32 $0xFC00  }
0xd6: {  	[tilespmem:s21], [sflag:$0x2] =	stream.indirect_vreg.gather [hbm4b:s4+s2], $0x80, v3, vm0, $0xb8;
	[tilespmem:$0x18400] =	vst v63  }
0xd7: {  	s20 =	rddreg [dreg:$0x6]  }
0xd8: {  	[hbm4b:s20+s2] =	stream.linear.scatter [tilespmem:s8], [sflag:$0x4], $0x8000, $0x38;
	[tilespmem:$0x18400] =	vst v63  }
0xd9: {  	_ =	swait.ge [sflag:s19], $0x8000  }
0xda: {  	[sflag:s19] =	ssyncset.done $0x0  }
0xdb: {  	[sflag:s19] =	ssyncadd.s32 $0xFFFF8000  }
0xdc: {  	v3 =	vld [tilespmem:$0x280];
	_ =	sdelay $0x4  }
0xdd: {  	v40 =	vshll.u32 v3, $0x1  }
0xde: {  	v3 =	vand.u32 $0x7, v3;
	v4 =	vand.u32 $0xFFFFFFF0, v40  }
0xdf: {  	v3 =	vor.u32 v3, v4  }
0xe0: {  	v4 =	vperm.xlane v3, v0;
	_ =	sdelay $0x1  }
0xe1: {  	v3 =	vperm.xlane v3, v2;
	v4 =	vadd.s32 v1, v4;
	_ =	sdelay $0x1  }
0xe2: {  	v3 =	vadd.s32 v1, v3;
	_ =	sdelay $0x2  }
0xe3: {  	[tilespmem:s7], [sflag:$0x3] =	stream.indirect_vreg.gather [hbm4b:s4+s2], $0x80, v4, vm0, $0xb8;
	[tilespmem:$0x18400] =	vst v63  }
0xe4: {  	s21 =	rddreg [dreg:$0xb]  }
0xe5: {  	[tilespmem:s21], [sflag:$0x3] =	stream.indirect_vreg.gather [hbm4b:s4+s2], $0x80, v3, vm0, $0xb8;
	[tilespmem:$0x18400] =	vst v63  }
0xe6: {  	v3 =	vld [tilespmem:$0x290];
	_ =	sdelay $0x4  }
0xe7: {  	v41 =	vshll.u32 v3, $0x1  }
0xe8: {  	v3 =	vand.u32 $0x7, v3;
	v4 =	vand.u32 $0xFFFFFFF0, v41  }
0xe9: {  	v3 =	vor.u32 v3, v4  }
0xea: {  	v4 =	vperm.xlane v3, v0;
	_ =	sdelay $0x1  }
0xeb: {  	v3 =	vperm.xlane v3, v2;
	v4 =	vadd.s32 v1, v4;
	_ =	sdelay $0x1  }
0xec: {  	v3 =	vadd.s32 v1, v3;
	_ =	sdelay $0x1  }
0xed: {  	s20 =	rddreg [dreg:$0xc]  }
0xee: {  	[tilespmem:s20], [sflag:$0x3] =	stream.indirect_vreg.gather [hbm4b:s4+s2], $0x80, v4, vm0, $0xb8;
	[tilespmem:$0x18400] =	vst v63  }
0xef: {  	s21 =	rddreg [dreg:$0xd]  }
0xf0: {  	[tilespmem:s21], [sflag:$0x3] =	stream.indirect_vreg.gather [hbm4b:s4+s2], $0x80, v3, vm0, $0xb8;
	[tilespmem:$0x18400] =	vst v63  }
0xf1: {  	v3 =	vld [tilespmem:$0x2A0];
	_ =	sdelay $0x4  }
0xf2: {  	v42 =	vshll.u32 v3, $0x1  }
0xf3: {  	v3 =	vand.u32 $0x7, v3;
	v4 =	vand.u32 $0xFFFFFFF0, v42  }
0xf4: {  	v3 =	vor.u32 v3, v4  }
0xf5: {  	v4 =	vperm.xlane v3, v0;
	_ =	sdelay $0x1  }
0xf6: {  	v3 =	vperm.xlane v3, v2;
	v4 =	vadd.s32 v1, v4;
	_ =	sdelay $0x1  }
0xf7: {  	v3 =	vadd.s32 v1, v3;
	_ =	sdelay $0x1  }
0xf8: {  	s20 =	rddreg [dreg:$0xe]  }
0xf9: {  	[tilespmem:s20], [sflag:$0x3] =	stream.indirect_vreg.gather [hbm4b:s4+s2], $0x80, v4, vm0, $0xb8;
	[tilespmem:$0x18400] =	vst v63  }
0xfa: {  	s21 =	rddreg [dreg:$0xf]  }
0xfb: {  	[tilespmem:s21], [sflag:$0x3] =	stream.indirect_vreg.gather [hbm4b:s4+s2], $0x80, v3, vm0, $0xb8;
	[tilespmem:$0x18400] =	vst v63  }
0xfc: {  	v3 =	vld [tilespmem:$0x2B0];
	_ =	sdelay $0x4  }
0xfd: {  	v43 =	vshll.u32 v3, $0x1  }
0xfe: {  	v3 =	vand.u32 $0x7, v3;
	v4 =	vand.u32 $0xFFFFFFF0, v43  }
0xff: {  	v3 =	vor.u32 v3, v4  }
0x100: {  	v4 =	vperm.xlane v3, v0;
	_ =	sdelay $0x1  }
0x101: {  	v3 =	vperm.xlane v3, v2;
	v4 =	vadd.s32 v1, v4;
	_ =	sdelay $0x1  }
0x102: {  	v3 =	vadd.s32 v1, v3;
	_ =	sdelay $0x1  }
0x103: {  	s20 =	rddreg [dreg:$0x10]  }
0x104: {  	[tilespmem:s20], [sflag:$0x3] =	stream.indirect_vreg.gather [hbm4b:s4+s2], $0x80, v4, vm0, $0xb8;
	[tilespmem:$0x18400] =	vst v63  }
0x105: {  	s21 =	rddreg [dreg:$0x11]  }
0x106: {  	[tilespmem:s21], [sflag:$0x3] =	stream.indirect_vreg.gather [hbm4b:s4+s2], $0x80, v3, vm0, $0xb8;
	[tilespmem:$0x18400] =	vst v63  }
0x107: {  	v3 =	vld [tilespmem:$0x2C0];
	_ =	sdelay $0x4  }
0x108: {  	v44 =	vshll.u32 v3, $0x1  }
0x109: {  	v3 =	vand.u32 $0x7, v3;
	v4 =	vand.u32 $0xFFFFFFF0, v44  }
0x10a: {  	v3 =	vor.u32 v3, v4  }
0x10b: {  	v4 =	vperm.xlane v3, v0;
	_ =	sdelay $0x1  }
0x10c: {  	v3 =	vperm.xlane v3, v2;
	v4 =	vadd.s32 v1, v4;
	_ =	sdelay $0x1  }
0x10d: {  	v3 =	vadd.s32 v1, v3;
	_ =	sdelay $0x1  }
0x10e: {  	s20 =	rddreg [dreg:$0x12]  }
0x10f: {  	[tilespmem:s20], [sflag:$0x3] =	stream.indirect_vreg.gather [hbm4b:s4+s2], $0x80, v4, vm0, $0xb8;
	[tilespmem:$0x18400] =	vst v63  }
0x110: {  	s21 =	rddreg [dreg:$0x13]  }
0x111: {  	[tilespmem:s21], [sflag:$0x3] =	stream.indirect_vreg.gather [hbm4b:s4+s2], $0x80, v3, vm0, $0xb8;
	[tilespmem:$0x18400] =	vst v63  }
0x112: {  	v3 =	vld [tilespmem:$0x2D0];
	_ =	sdelay $0x4  }
0x113: {  	v45 =	vshll.u32 v3, $0x1  }
0x114: {  	v3 =	vand.u32 $0x7, v3;
	v4 =	vand.u32 $0xFFFFFFF0, v45  }
0x115: {  	v3 =	vor.u32 v3, v4  }
0x116: {  	v4 =	vperm.xlane v3, v0;
	_ =	sdelay $0x1  }
0x117: {  	v3 =	vperm.xlane v3, v2;
	v4 =	vadd.s32 v1, v4;
	_ =	sdelay $0x1  }
0x118: {  	v3 =	vadd.s32 v1, v3;
	_ =	sdelay $0x1  }
0x119: {  	s20 =	rddreg [dreg:$0x14]  }
0x11a: {  	[tilespmem:s20], [sflag:$0x3] =	stream.indirect_vreg.gather [hbm4b:s4+s2], $0x80, v4, vm0, $0xb8;
	[tilespmem:$0x18400] =	vst v63  }
0x11b: {  	s21 =	rddreg [dreg:$0x15]  }
0x11c: {  	[tilespmem:s21], [sflag:$0x3] =	stream.indirect_vreg.gather [hbm4b:s4+s2], $0x80, v3, vm0, $0xb8;
	[tilespmem:$0x18400] =	vst v63  }
0x11d: {  	v3 =	vld [tilespmem:$0x2E0];
	_ =	sdelay $0x4  }
0x11e: {  	v46 =	vshll.u32 v3, $0x1  }
0x11f: {  	v3 =	vand.u32 $0x7, v3;
	v4 =	vand.u32 $0xFFFFFFF0, v46  }
0x120: {  	v3 =	vor.u32 v3, v4  }
0x121: {  	v4 =	vperm.xlane v3, v0;
	_ =	sdelay $0x1  }
0x122: {  	v3 =	vperm.xlane v3, v2;
	v4 =	vadd.s32 v1, v4;
	_ =	sdelay $0x1  }
0x123: {  	v3 =	vadd.s32 v1, v3;
	_ =	sdelay $0x1  }
0x124: {  	s20 =	rddreg [dreg:$0x16]  }
0x125: {  	[tilespmem:s20], [sflag:$0x3] =	stream.indirect_vreg.gather [hbm4b:s4+s2], $0x80, v4, vm0, $0xb8;
	[tilespmem:$0x18400] =	vst v63  }
0x126: {  	s21 =	rddreg [dreg:$0x17]  }
0x127: {  	[tilespmem:s21], [sflag:$0x3] =	stream.indirect_vreg.gather [hbm4b:s4+s2], $0x80, v3, vm0, $0xb8;
	[tilespmem:$0x18400] =	vst v63  }
0x128: {  	v3 =	vld [tilespmem:$0x2F0];
	_ =	sdelay $0x4  }
0x129: {  	v47 =	vshll.u32 v3, $0x1  }
0x12a: {  	v3 =	vand.u32 $0x7, v3;
	v4 =	vand.u32 $0xFFFFFFF0, v47  }
0x12b: {  	v3 =	vor.u32 v3, v4  }
0x12c: {  	v4 =	vperm.xlane v3, v0;
	_ =	sdelay $0x1  }
0x12d: {  	v3 =	vperm.xlane v3, v2;
	v4 =	vadd.s32 v1, v4;
	_ =	sdelay $0x1  }
0x12e: {  	v3 =	vadd.s32 v1, v3;
	_ =	sdelay $0x1  }
0x12f: {  	s20 =	rddreg [dreg:$0x18]  }
0x130: {  	[tilespmem:s20], [sflag:$0x3] =	stream.indirect_vreg.gather [hbm4b:s4+s2], $0x80, v4, vm0, $0xb8;
	[tilespmem:$0x18400] =	vst v63  }
0x131: {  	s21 =	rddreg [dreg:$0x19]  }
0x132: {  	[tilespmem:s21], [sflag:$0x3] =	stream.indirect_vreg.gather [hbm4b:s4+s2], $0x80, v3, vm0, $0xb8;
	[tilespmem:$0x18400] =	vst v63  }
0x133: {  	s20 =	rddreg [dreg:$0x7]  }
0x134: {  	[hbm4b:s20+s2] =	stream.linear.scatter [tilespmem:s0], [sflag:$0x5], $0x8000, $0x38;
	[tilespmem:$0x18400] =	vst v63  }
0x135: {  	_ =	swait.ge [sflag:s9], $0x8000  }
0x136: {  	[sflag:s9] =	ssyncset.done $0x0  }
0x137: {  	[sflag:s9] =	ssyncadd.s32 $0xFFFF8000  }
0x138: {  	v3 =	vld [tilespmem:$0x300];
	_ =	sdelay $0x4  }
0x139: {  	v48 =	vshll.u32 v3, $0x1  }
0x13a: {  	v3 =	vand.u32 $0x7, v3;
	v4 =	vand.u32 $0xFFFFFFF0, v48  }
0x13b: {  	v3 =	vor.u32 v3, v4  }
0x13c: {  	v4 =	vperm.xlane v3, v0;
	_ =	sdelay $0x1  }
0x13d: {  	v3 =	vperm.xlane v3, v2;
	v4 =	vadd.s32 v1, v4;
	_ =	sdelay $0x1  }
0x13e: {  	v3 =	vadd.s32 v1, v3;
	_ =	sdelay $0x2  }
0x13f: {  	[tilespmem:s8], [sflag:$0x1] =	stream.indirect_vreg.gather [hbm4b:s4+s2], $0x80, v4, vm0, $0xb8;
	[tilespmem:$0x18400] =	vst v63  }
0x140: {  	_ = 	snop  }
0x141: {  	[tilespmem:s22], [sflag:$0x1] =	stream.indirect_vreg.gather [hbm4b:s4+s2], $0x80, v3, vm0, $0xb8;
	[tilespmem:$0x18400] =	vst v63  }
0x142: {  	v3 =	vld [tilespmem:$0x310];
	_ =	sdelay $0x4  }
0x143: {  	v49 =	vshll.u32 v3, $0x1  }
0x144: {  	v3 =	vand.u32 $0x7, v3;
	v4 =	vand.u32 $0xFFFFFFF0, v49  }
0x145: {  	v3 =	vor.u32 v3, v4  }
0x146: {  	v4 =	vperm.xlane v3, v0;
	_ =	sdelay $0x1  }
0x147: {  	v3 =	vperm.xlane v3, v2;
	v4 =	vadd.s32 v1, v4;
	_ =	sdelay $0x1  }
0x148: {  	v3 =	vadd.s32 v1, v3;
	_ =	sdelay $0x2  }
0x149: {  	[tilespmem:s23], [sflag:$0x1] =	stream.indirect_vreg.gather [hbm4b:s4+s2], $0x80, v4, vm0, $0xb8;
	[tilespmem:$0x18400] =	vst v63  }
0x14a: {  	_ = 	snop  }
0x14b: {  	[tilespmem:s24], [sflag:$0x1] =	stream.indirect_vreg.gather [hbm4b:s4+s2], $0x80, v3, vm0, $0xb8;
	[tilespmem:$0x18400] =	vst v63  }
0x14c: {  	v3 =	vld [tilespmem:$0x320];
	_ =	sdelay $0x4  }
0x14d: {  	v50 =	vshll.u32 v3, $0x1  }
0x14e: {  	v3 =	vand.u32 $0x7, v3;
	v4 =	vand.u32 $0xFFFFFFF0, v50  }
0x14f: {  	v3 =	vor.u32 v3, v4  }
0x150: {  	v4 =	vperm.xlane v3, v0;
	_ =	sdelay $0x1  }
0x151: {  	v3 =	vperm.xlane v3, v2;
	v4 =	vadd.s32 v1, v4;
	_ =	sdelay $0x1  }
0x152: {  	v3 =	vadd.s32 v1, v3;
	_ =	sdelay $0x2  }
0x153: {  	[tilespmem:s28], [sflag:$0x1] =	stream.indirect_vreg.gather [hbm4b:s4+s2], $0x80, v4, vm0, $0xb8;
	[tilespmem:$0x18400] =	vst v63  }
0x154: {  	_ = 	snop  }
0x155: {  	[tilespmem:s29], [sflag:$0x1] =	stream.indirect_vreg.gather [hbm4b:s4+s2], $0x80, v3, vm0, $0xb8;
	[tilespmem:$0x18400] =	vst v63  }
0x156: {  	v3 =	vld [tilespmem:$0x330];
	_ =	sdelay $0x4  }
0x157: {  	v51 =	vshll.u32 v3, $0x1  }
0x158: {  	v3 =	vand.u32 $0x7, v3;
	v4 =	vand.u32 $0xFFFFFFF0, v51  }
0x159: {  	v3 =	vor.u32 v3, v4  }
0x15a: {  	v4 =	vperm.xlane v3, v0;
	_ =	sdelay $0x1  }
0x15b: {  	v3 =	vperm.xlane v3, v2;
	v4 =	vadd.s32 v1, v4;
	_ =	sdelay $0x1  }
0x15c: {  	v3 =	vadd.s32 v1, v3;
	_ =	sdelay $0x2  }
0x15d: {  	[tilespmem:s30], [sflag:$0x1] =	stream.indirect_vreg.gather [hbm4b:s4+s2], $0x80, v4, vm0, $0xb8;
	[tilespmem:$0x18400] =	vst v63  }
0x15e: {  	_ = 	snop  }
0x15f: {  	[tilespmem:s31], [sflag:$0x1] =	stream.indirect_vreg.gather [hbm4b:s4+s2], $0x80, v3, vm0, $0xb8;
	[tilespmem:$0x18400] =	vst v63  }
0x160: {  	v3 =	vld [tilespmem:$0x340];
	_ =	sdelay $0x4  }
0x161: {  	v52 =	vshll.u32 v3, $0x1  }
0x162: {  	v3 =	vand.u32 $0x7, v3;
	v4 =	vand.u32 $0xFFFFFFF0, v52  }
0x163: {  	v3 =	vor.u32 v3, v4  }
0x164: {  	v4 =	vperm.xlane v3, v0;
	_ =	sdelay $0x1  }
0x165: {  	v3 =	vperm.xlane v3, v2;
	v4 =	vadd.s32 v1, v4;
	_ =	sdelay $0x1  }
0x166: {  	v3 =	vadd.s32 v1, v3;
	_ =	sdelay $0x2  }
0x167: {  	[tilespmem:s1], [sflag:$0x1] =	stream.indirect_vreg.gather [hbm4b:s4+s2], $0x80, v4, vm0, $0xb8;
	[tilespmem:$0x18400] =	vst v63  }
0x168: {  	s21 =	simm.s32 $0x4C00  }
0x169: {  	[tilespmem:s21], [sflag:$0x1] =	stream.indirect_vreg.gather [hbm4b:s4+s2], $0x80, v3, vm0, $0xb8;
	[tilespmem:$0x18400] =	vst v63  }
0x16a: {  	v3 =	vld [tilespmem:$0x350];
	_ =	sdelay $0x4  }
0x16b: {  	v53 =	vshll.u32 v3, $0x1  }
0x16c: {  	v3 =	vand.u32 $0x7, v3;
	v4 =	vand.u32 $0xFFFFFFF0, v53  }
0x16d: {  	v3 =	vor.u32 v3, v4  }
0x16e: {  	v4 =	vperm.xlane v3, v0;
	_ =	sdelay $0x1  }
0x16f: {  	v3 =	vperm.xlane v3, v2;
	v4 =	vadd.s32 v1, v4;
	_ =	sdelay $0x1  }
0x170: {  	v3 =	vadd.s32 v1, v3;
	_ =	sdelay $0x2  }
0x171: {  	[tilespmem:s10], [sflag:$0x1] =	stream.indirect_vreg.gather [hbm4b:s4+s2], $0x80, v4, vm0, $0xb8;
	[tilespmem:$0x18400] =	vst v63  }
0x172: {  	_ = 	snop  }
0x173: {  	[tilespmem:s11], [sflag:$0x1] =	stream.indirect_vreg.gather [hbm4b:s4+s2], $0x80, v3, vm0, $0xb8;
	[tilespmem:$0x18400] =	vst v63  }
0x174: {  	v3 =	vld [tilespmem:$0x360];
	_ =	sdelay $0x4  }
0x175: {  	v54 =	vshll.u32 v3, $0x1  }
0x176: {  	v3 =	vand.u32 $0x7, v3;
	v4 =	vand.u32 $0xFFFFFFF0, v54  }
0x177: {  	v3 =	vor.u32 v3, v4  }
0x178: {  	v4 =	vperm.xlane v3, v0;
	_ =	sdelay $0x1  }
0x179: {  	v3 =	vperm.xlane v3, v2;
	v4 =	vadd.s32 v1, v4;
	_ =	sdelay $0x1  }
0x17a: {  	v3 =	vadd.s32 v1, v3;
	_ =	sdelay $0x2  }
0x17b: {  	[tilespmem:s12], [sflag:$0x1] =	stream.indirect_vreg.gather [hbm4b:s4+s2], $0x80, v4, vm0, $0xb8;
	[tilespmem:$0x18400] =	vst v63  }
0x17c: {  	_ = 	snop  }
0x17d: {  	[tilespmem:s13], [sflag:$0x1] =	stream.indirect_vreg.gather [hbm4b:s4+s2], $0x80, v3, vm0, $0xb8;
	[tilespmem:$0x18400] =	vst v63  }
0x17e: {  	v3 =	vld [tilespmem:$0x370];
	_ =	sdelay $0x4  }
0x17f: {  	v55 =	vshll.u32 v3, $0x1  }
0x180: {  	v3 =	vand.u32 $0x7, v3;
	v4 =	vand.u32 $0xFFFFFFF0, v55  }
0x181: {  	v3 =	vor.u32 v3, v4  }
0x182: {  	v4 =	vperm.xlane v3, v0;
	_ =	sdelay $0x1  }
0x183: {  	v3 =	vperm.xlane v3, v2;
	v4 =	vadd.s32 v1, v4;
	_ =	sdelay $0x1  }
0x184: {  	v3 =	vadd.s32 v1, v3;
	_ =	sdelay $0x2  }
0x185: {  	[tilespmem:s14], [sflag:$0x1] =	stream.indirect_vreg.gather [hbm4b:s4+s2], $0x80, v4, vm0, $0xb8;
	[tilespmem:$0x18400] =	vst v63  }
0x186: {  	_ = 	snop  }
0x187: {  	[tilespmem:s15], [sflag:$0x1] =	stream.indirect_vreg.gather [hbm4b:s4+s2], $0x80, v3, vm0, $0xb8;
	[tilespmem:$0x18400] =	vst v63  }
0x188: {  	s1 =	rddreg [dreg:$0x8]  }
0x189: {  	[hbm4b:s1+s2] =	stream.linear.scatter [tilespmem:s7], [sflag:$0x6], $0x8000, $0x38;
	[tilespmem:$0x18400] =	vst v63  }
0x18a: {  	_ =	swait.ge [sflag:s26], $0x8000  }
0x18b: {  	[sflag:s26] =	ssyncset.done $0x0  }
0x18c: {  	[sflag:s26] =	ssyncadd.s32 $0xFFFF8000  }
0x18d: {  	v3 =	vld [tilespmem:$0x380];
	_ =	sdelay $0x4  }
0x18e: {  	v56 =	vshll.u32 v3, $0x1  }
0x18f: {  	v3 =	vand.u32 $0x7, v3;
	v4 =	vand.u32 $0xFFFFFFF0, v56  }
0x190: {  	v3 =	vor.u32 v3, v4  }
0x191: {  	v4 =	vperm.xlane v3, v0;
	_ =	sdelay $0x1  }
0x192: {  	v3 =	vperm.xlane v3, v2;
	v4 =	vadd.s32 v1, v4;
	_ =	sdelay $0x1  }
0x193: {  	v3 =	vadd.s32 v1, v3;
	_ =	sdelay $0x2  }
0x194: {  	[tilespmem:s0], [sflag:$0x2] =	stream.indirect_vreg.gather [hbm4b:s4+s2], $0x80, v4, vm0, $0xb8;
	[tilespmem:$0x18400] =	vst v63  }
0x195: {  	_ = 	snop  }
0x196: {  	[tilespmem:s16], [sflag:$0x2] =	stream.indirect_vreg.gather [hbm4b:s4+s2], $0x80, v3, vm0, $0xb8;
	[tilespmem:$0x18400] =	vst v63  }
0x197: {  	v3 =	vld [tilespmem:$0x390];
	_ =	sdelay $0x4  }
0x198: {  	v57 =	vshll.u32 v3, $0x1  }
0x199: {  	v3 =	vand.u32 $0x7, v3;
	v4 =	vand.u32 $0xFFFFFFF0, v57  }
0x19a: {  	v3 =	vor.u32 v3, v4  }
0x19b: {  	v4 =	vperm.xlane v3, v0;
	_ =	sdelay $0x1  }
0x19c: {  	v3 =	vperm.xlane v3, v2;
	v4 =	vadd.s32 v1, v4;
	_ =	sdelay $0x1  }
0x19d: {  	v3 =	vadd.s32 v1, v3;
	_ =	sdelay $0x2  }
0x19e: {  	[tilespmem:s17], [sflag:$0x2] =	stream.indirect_vreg.gather [hbm4b:s4+s2], $0x80, v4, vm0, $0xb8;
	[tilespmem:$0x18400] =	vst v63  }
0x19f: {  	_ = 	snop  }
0x1a0: {  	[tilespmem:s18], [sflag:$0x2] =	stream.indirect_vreg.gather [hbm4b:s4+s2], $0x80, v3, vm0, $0xb8;
	[tilespmem:$0x18400] =	vst v63  }
0x1a1: {  	v3 =	vld [tilespmem:$0x3A0];
	_ =	sdelay $0x4  }
0x1a2: {  	v58 =	vshll.u32 v3, $0x1  }
0x1a3: {  	v3 =	vand.u32 $0x7, v3;
	v4 =	vand.u32 $0xFFFFFFF0, v58  }
0x1a4: {  	v3 =	vor.u32 v3, v4  }
0x1a5: {  	v4 =	vperm.xlane v3, v0;
	_ =	sdelay $0x1  }
0x1a6: {  	v3 =	vperm.xlane v3, v2;
	v4 =	vadd.s32 v1, v4;
	_ =	sdelay $0x1  }
0x1a7: {  	v3 =	vadd.s32 v1, v3;
	_ =	sdelay $0x2  }
0x1a8: {  	[tilespmem:s3], [sflag:$0x2] =	stream.indirect_vreg.gather [hbm4b:s4+s2], $0x80, v4, vm0, $0xb8;
	[tilespmem:$0x18400] =	vst v63  }
0x1a9: {  	_ = 	snop  }
0x1aa: {  	[tilespmem:s6], [sflag:$0x2] =	stream.indirect_vreg.gather [hbm4b:s4+s2], $0x80, v3, vm0, $0xb8;
	[tilespmem:$0x18400] =	vst v63  }
0x1ab: {  	v3 =	vld [tilespmem:$0x3B0];
	_ =	sdelay $0x4  }
0x1ac: {  	v59 =	vshll.u32 v3, $0x1  }
0x1ad: {  	v3 =	vand.u32 $0x7, v3;
	v4 =	vand.u32 $0xFFFFFFF0, v59  }
0x1ae: {  	v3 =	vor.u32 v3, v4  }
0x1af: {  	v4 =	vperm.xlane v3, v0;
	_ =	sdelay $0x1  }
0x1b0: {  	v3 =	vperm.xlane v3, v2;
	v4 =	vadd.s32 v1, v4;
	_ =	sdelay $0x1  }
0x1b1: {  	v3 =	vadd.s32 v1, v3;
	_ =	sdelay $0x2  }
0x1b2: {  	[tilespmem:s25], [sflag:$0x2] =	stream.indirect_vreg.gather [hbm4b:s4+s2], $0x80, v4, vm0, $0xb8;
	[tilespmem:$0x18400] =	vst v63  }
0x1b3: {  	s3 =	simm.s32 $0xBC00  }
0x1b4: {  	[tilespmem:s3], [sflag:$0x2] =	stream.indirect_vreg.gather [hbm4b:s4+s2], $0x80, v3, vm0, $0xb8;
	[tilespmem:$0x18400] =	vst v63  }
0x1b5: {  	v3 =	vld [tilespmem:$0x3C0];
	_ =	sdelay $0x4  }
0x1b6: {  	v60 =	vshll.u32 v3, $0x1  }
0x1b7: {  	v3 =	vand.u32 $0x7, v3;
	v4 =	vand.u32 $0xFFFFFFF0, v60  }
0x1b8: {  	v3 =	vor.u32 v3, v4  }
0x1b9: {  	v4 =	vperm.xlane v3, v0;
	_ =	sdelay $0x1  }
0x1ba: {  	v3 =	vperm.xlane v3, v2;
	v4 =	vadd.s32 v1, v4;
	_ =	sdelay $0x1  }
0x1bb: {  	v3 =	vadd.s32 v1, v3;
	_ =	sdelay $0x1  }
0x1bc: {  	s20 =	simm.s32 $0xC400  }
0x1bd: {  	[tilespmem:s20], [sflag:$0x2] =	stream.indirect_vreg.gather [hbm4b:s4+s2], $0x80, v4, vm0, $0xb8;
	[tilespmem:$0x18400] =	vst v63  }
0x1be: {  	s21 =	simm.s32 $0xCC00  }
0x1bf: {  	[tilespmem:s21], [sflag:$0x2] =	stream.indirect_vreg.gather [hbm4b:s4+s2], $0x80, v3, vm0, $0xb8;
	[tilespmem:$0x18400] =	vst v63  }
0x1c0: {  	v3 =	vld [tilespmem:$0x3D0];
	_ =	sdelay $0x4  }
0x1c1: {  	v61 =	vshll.u32 v3, $0x1  }
0x1c2: {  	v3 =	vand.u32 $0x7, v3;
	v4 =	vand.u32 $0xFFFFFFF0, v61  }
0x1c3: {  	v3 =	vor.u32 v3, v4  }
0x1c4: {  	v4 =	vperm.xlane v3, v0;
	_ =	sdelay $0x1  }
0x1c5: {  	v3 =	vperm.xlane v3, v2;
	v4 =	vadd.s32 v1, v4;
	_ =	sdelay $0x1  }
0x1c6: {  	v3 =	vadd.s32 v1, v3;
	_ =	sdelay $0x1  }
0x1c7: {  	s3 =	simm.s32 $0xD400  }
0x1c8: {  	[tilespmem:s3], [sflag:$0x2] =	stream.indirect_vreg.gather [hbm4b:s4+s2], $0x80, v4, vm0, $0xb8;
	[tilespmem:$0x18400] =	vst v63  }
0x1c9: {  	s20 =	simm.s32 $0xDC00  }
0x1ca: {  	[tilespmem:s20], [sflag:$0x2] =	stream.indirect_vreg.gather [hbm4b:s4+s2], $0x80, v3, vm0, $0xb8;
	[tilespmem:$0x18400] =	vst v63  }
0x1cb: {  	v3 =	vld [tilespmem:$0x3E0];
	_ =	sdelay $0x4  }
0x1cc: {  	v62 =	vshll.u32 v3, $0x1  }
0x1cd: {  	v3 =	vand.u32 $0x7, v3;
	v4 =	vand.u32 $0xFFFFFFF0, v62  }
0x1ce: {  	v3 =	vor.u32 v3, v4  }
0x1cf: {  	v4 =	vperm.xlane v3, v0;
	_ =	sdelay $0x1  }
0x1d0: {  	v3 =	vperm.xlane v3, v2;
	v4 =	vadd.s32 v1, v4;
	_ =	sdelay $0x1  }
0x1d1: {  	v3 =	vadd.s32 v1, v3;
	_ =	sdelay $0x1  }
0x1d2: {  	s21 =	simm.s32 $0xE400  }
0x1d3: {  	[tilespmem:s21], [sflag:$0x2] =	stream.indirect_vreg.gather [hbm4b:s4+s2], $0x80, v4, vm0, $0xb8;
	[tilespmem:$0x18400] =	vst v63  }
0x1d4: {  	s3 =	simm.s32 $0xEC00  }
0x1d5: {  	[tilespmem:s3], [sflag:$0x2] =	stream.indirect_vreg.gather [hbm4b:s4+s2], $0x80, v3, vm0, $0xb8;
	[tilespmem:$0x18400] =	vst v63  }
0x1d6: {  	v3 =	vld [tilespmem:$0x3F0];
	_ =	sdelay $0x4  }
0x1d7: {  	v63 =	vshll.u32 v3, $0x1  }
0x1d8: {  	v3 =	vand.u32 $0x7, v3;
	v4 =	vand.u32 $0xFFFFFFF0, v63  }
0x1d9: {  	v3 =	vor.u32 v3, v4  }
0x1da: {  	v4 =	vperm.xlane v3, v0;
	_ =	sdelay $0x1  }
0x1db: {  	v3 =	vperm.xlane v3, v2;
	v4 =	vadd.s32 v1, v4;
	_ =	sdelay $0x1  }
0x1dc: {  	v3 =	vadd.s32 v1, v3;
	_ =	sdelay $0x1  }
0x1dd: {  	s20 =	simm.s32 $0xF400  }
0x1de: {  	[tilespmem:s20], [sflag:$0x2] =	stream.indirect_vreg.gather [hbm4b:s4+s2], $0x80, v4, vm0, $0xb8;
	[tilespmem:$0x18400] =	vst v63  }
0x1df: {  	s21 =	simm.s32 $0xFC00  }
0x1e0: {  	[tilespmem:s21], [sflag:$0x2] =	stream.indirect_vreg.gather [hbm4b:s4+s2], $0x80, v3, vm0, $0xb8;
	[tilespmem:$0x18400] =	vst v63  }
0x1e1: {  	s20 =	rddreg [dreg:$0x9]  }
0x1e2: {  	[hbm4b:s20+s2] =	stream.linear.scatter [tilespmem:s8], [sflag:$0x4], $0x8000, $0x38;
	[tilespmem:$0x18400] =	vst v63  }
0x1e3: {  	s3 =	rddreg [dreg:$0xa]  }
0x1e4: {  	[hbm4b:s3+s2] =	stream.linear.scatter [tilespmem:s0], [sflag:$0x5], $0x8000, $0x38;
	[tilespmem:$0x18400] =	vst v63  }
0x1e5: {  	_ =	swait.ge [sflag:s19], $0x8000  }
0x1e6: {  	[sflag:s19] =	ssyncset.done $0x0  }
0x1e7: {  	[sflag:s19] =	ssyncadd.s32 $0xFFFF8000  }
0x1e8: {  	p0 =	sne.s32 s5, $0x1;
	_ =	swait.ge [sflag:s9], $0x8000  }
.Ltmp0:
0x1e9: {  	[sflag:s9] =	ssyncset.done $0x0;
	(pc) =	sbr.rel @p0 .LBB2_1-.Ltmp0, $4  }
0x1ea: {  	[sflag:s9] =	ssyncadd.s32 $0xFFFF8000  }
0x1eb: {  	_ =	swait.ge [sflag:s26], $0x8000  }
0x1ec: {  	[sflag:s26] =	ssyncset.done $0x0  }
0x1ed: {  	s5 =	sadd.s32 $0xFFFFFFFF, s5;
	[sflag:s26] =	ssyncadd.s32 $0xFFFF8000  }
0x1ee: {  	_ =	sfence.sel $0x180000  }
0x1ef: {  	[bflag:$0x0] =	sbarrier.arrive $0xFFFF  }
0x1f0: {  	_ =	strace $0x90000047  }
0x1f1: {  	s0 =	stileid.u32;
	[bflag:$0x2] =	sbarrier.arrive $0xFFFF  }
0x1f2: {  	p0 =	sne.s32 s0, $0x0;
	s0 =	rddreg [dreg:$0x2]  }
0x1f3: {  	s0 =	sadd.s32 @!p0 $0x100000, s0  }
0x1f4: {  	[sflag:s0] =	ssyncadd.tile.s32 @!p0 $0x1;
	_ =	shalt  }
.Lfunc_end2:
_tile_overlayer_lowered:
.L_overlay_start_2:
0x1f5: {  	(tag) =	ssettag $0x2  }
0x1f6: {  	s0 =	rddreg [dreg:$0x0];
	s2 =	stileid.u32  }
0x1f7: {  	s1 =	rddreg [dreg:$0x1];
	p0 =	sne.s32 s2, $0x0  }
0x1f8: {  	s3 =	rddreg [dreg:$0x2];
	[bflag:$0x3] =	sbarrier.arrive $0xFFFF;
	s2 =	simm.s32 @!p0 $0x1C07  }
0x1f9: {  	[timem:s3], [sflag:s2] =	dma.local @!p0 [hbm:s0], s1  }
0x1fa: {  	s0 =	simm.s32 @!p0 $0x7  }
0x1fb: {  	_ =	swait.ge @!p0 [sflag:s0], s1  }
0x1fc: {  	s1 =	ssub.s32 @!p0 $0x0, s1;
	[sflag:s0] =	ssyncset.done @!p0 $0x0  }
0x1fd: {  	[sflag:s0] =	ssyncadd.s32 @!p0 s1  }
0x1fe: {  	[bflag:$0x3] =	sbarrier.arrive $0xFFFF  }
0x1ff: {  	_ =	shalt  }

</sc_bundles>
